<compile_context>
chip_gen: v7x
topology: tpu7x:2x2x1
jax: 0.10.2.dev20260603
libtpu: 0.0.44.dev20260713+nightly
codegen_flags: <defaults>
</compile_context>

<pallas_src>
import functools

import jax
import jax.numpy as jnp
from jax import lax
from jax.experimental import pallas as pl
from jax.experimental.pallas import tpu as pltpu
from jax.experimental.pallas import tpu_sc as plsc

_N = 10000
_K = 6

_NSC = 2
_NSUB = 16
_NW = _NSC * _NSUB
_EC = 79
_CW = 128
_EPAD = _NW * _EC * _CW
_NACC = 10240
_RPT = _NACC // _NSUB
_NHIST = 10240


def _feast_sc_call(zaug, srcg, dstg):
    ch = zaug.shape[1]
    mesh = plsc.VectorSubcoreMesh(core_axis_name="c", subcore_axis_name="s")
    out_type = jax.ShapeDtypeStruct((_NSC, _NACC, ch), jnp.float32)
    scratch = [
        pltpu.VMEM_SHARED((_NACC, ch), jnp.float32),
        pltpu.VMEM((_EC, _CW), jnp.int32),
        pltpu.VMEM((_EC, _CW), jnp.int32),
        pltpu.VMEM((_CW,), jnp.int32),
        pltpu.VMEM((_CW, ch), jnp.float32),
        pltpu.VMEM((_RPT, ch), jnp.float32),
        pltpu.SemaphoreType.DMA,
    ]

    def body(z_h, srcg_h, dstg_h, zw_h, s_out, acc, src_all, dst_all,
             dst2_v, rows_v, zbuf, sem):
        c = lax.axis_index("c")
        s = lax.axis_index("s")
        base = s * _RPT
        pltpu.sync_copy(zw_h, zbuf)
        pltpu.sync_copy(zbuf, acc.at[pl.ds(base, _RPT)])
        pltpu.sync_copy(srcg_h.at[c, s], src_all)
        pltpu.sync_copy(dstg_h.at[c, s], dst_all)
        plsc.subcore_barrier()

        def chunk(j, carry):
            for l in range(_CW // 16):
                s16 = src_all[j, pl.ds(l * 16, 16)]
                d16 = dst_all[j, pl.ds(l * 16, 16)]
                dump = _N + l * 16 + lax.iota(jnp.int32, 16)
                dst2_v[pl.ds(l * 16, 16)] = jnp.where(s16 == d16, dump, d16)
            pltpu.async_copy(z_h.at[src_all.at[j]], rows_v, sem).wait()
            pltpu.sync_copy(rows_v, acc.at[dst2_v], add=True)
            return carry

        lax.fori_loop(0, _EC, chunk, 0)
        plsc.subcore_barrier()
        pltpu.sync_copy(acc.at[pl.ds(base, _RPT)],
                        s_out.at[c, pl.ds(base, _RPT)])

    zw = jnp.zeros((_RPT, ch), jnp.float32)
    return pl.kernel(
        body, out_type=out_type, mesh=mesh, scratch_types=scratch,
        compiler_params=pltpu.CompilerParams(use_tc_tiling_on_sc=False),
    )(zaug, srcg, dstg, zw)


def _gather_sc_call(table, idxg, nchunk):
    ch = table.shape[1]
    mesh = plsc.VectorSubcoreMesh(core_axis_name="c", subcore_axis_name="s")
    out_type = jax.ShapeDtypeStruct((_NW, nchunk * _CW, ch), jnp.float32)
    scratch = [
        pltpu.VMEM((nchunk, _CW), jnp.int32),
        pltpu.VMEM((_CW, ch), jnp.float32),
        pltpu.SemaphoreType.DMA,
    ]

    def body(tab_h, idx_h, out_h, idx_all, rows_v, sem):
        c = lax.axis_index("c")
        s = lax.axis_index("s")
        wid = c * _NSUB + s
        pltpu.sync_copy(idx_h.at[c, s], idx_all)

        def chunk(j, carry):
            pltpu.async_copy(tab_h.at[idx_all.at[j]], rows_v, sem).wait()
            pltpu.sync_copy(rows_v, out_h.at[wid, pl.ds(j * _CW, _CW)])
            return carry

        lax.fori_loop(0, nchunk, chunk, 0)

    return pl.kernel(
        body, out_type=out_type, mesh=mesh, scratch_types=scratch,
        compiler_params=pltpu.CompilerParams(use_tc_tiling_on_sc=False),
    )(table, idxg)


def _dense_body(x_ref, w_ref, b_ref, o_ref):
    o_ref[:] = jax.nn.relu(
        jnp.dot(x_ref[:], w_ref[:], preferred_element_type=jnp.float32)
        + b_ref[:])


def _dense_lin_body(x_ref, w_ref, b_ref, o_ref):
    o_ref[:] = (jnp.dot(x_ref[:], w_ref[:], preferred_element_type=jnp.float32)
                + b_ref[:])


def _dense(x, W, b, relu=False, rb=2000):
    n, cin = x.shape
    cout = W.shape[1]
    return pl.pallas_call(
        _dense_body if relu else _dense_lin_body,
        grid=(n // rb,),
        in_specs=[
            pl.BlockSpec((rb, cin), lambda i: (i, 0)),
            pl.BlockSpec((cin, cout), lambda i: (0, 0)),
            pl.BlockSpec((1, cout), lambda i: (0, 0)),
        ],
        out_specs=pl.BlockSpec((rb, cout), lambda i: (i, 0)),
        out_shape=jax.ShapeDtypeStruct((n, cout), jnp.float32),
    )(x, W, b.reshape(1, -1))


def _edge_tail_body(a_ref, bb_ref, g_ref, w2_ref, b2_ref, o_ref):
    a = a_ref[:]
    bb = bb_ref[:]
    w2 = w2_ref[:]
    ch = bb.shape[1]
    acc = None
    for kk in range(_K):
        h = jax.nn.relu(a + g_ref[:, kk * ch:(kk + 1) * ch] - bb)
        hk = jnp.dot(h, w2, preferred_element_type=jnp.float32)
        acc = hk if acc is None else jnp.maximum(acc, hk)
    o_ref[:] = jax.nn.relu(acc + b2_ref[:])


def _edge_tail(a, bb, g, W2, b2):
    ch = bb.shape[1]
    co = W2.shape[1]
    rb = 2000
    return pl.pallas_call(
        _edge_tail_body,
        grid=(_N // rb,),
        in_specs=[
            pl.BlockSpec((rb, ch), lambda i: (i, 0)),
            pl.BlockSpec((rb, ch), lambda i: (i, 0)),
            pl.BlockSpec((rb, _K * ch), lambda i: (i, 0)),
            pl.BlockSpec((ch, co), lambda i: (0, 0)),
            pl.BlockSpec((1, co), lambda i: (0, 0)),
        ],
        out_specs=pl.BlockSpec((rb, co), lambda i: (i, 0)),
        out_shape=jax.ShapeDtypeStruct((_N, co), jnp.float32),
    )(a, bb, g, W2, b2.reshape(1, -1))


def _combine1_body(s0_ref, s1_ref, z_ref, b_ref, o_ref, deg_ref):
    ch = z_ref.shape[1]
    deg = s0_ref[:, ch:ch + 1] + s1_ref[:, ch:ch + 1]
    o_ref[:] = jax.nn.relu(
        (s0_ref[:, :ch] + s1_ref[:, :ch] + z_ref[:]) / (deg + 1.0) + b_ref[:])
    deg_ref[:] = deg


def _feast_combine1(s_parts, z, b):
    ch = z.shape[1]
    cha = s_parts.shape[2]
    rb = 2000
    return pl.pallas_call(
        _combine1_body,
        grid=(_N // rb,),
        in_specs=[
            pl.BlockSpec((rb, cha), lambda i: (i, 0)),
            pl.BlockSpec((rb, cha), lambda i: (i, 0)),
            pl.BlockSpec((rb, ch), lambda i: (i, 0)),
            pl.BlockSpec((1, ch), lambda i: (0, 0)),
        ],
        out_specs=[pl.BlockSpec((rb, ch), lambda i: (i, 0)),
                   pl.BlockSpec((rb, 1), lambda i: (i, 0))],
        out_shape=[jax.ShapeDtypeStruct((_N, ch), jnp.float32),
                   jax.ShapeDtypeStruct((_N, 1), jnp.float32)],
    )(s_parts[0, :_N], s_parts[1, :_N], z, b.reshape(1, -1))


def _combine3_body(s0_ref, s1_ref, z_ref, deg_ref, b_ref, o_ref):
    o_ref[:] = jax.nn.relu(
        (s0_ref[:] + s1_ref[:] + z_ref[:]) / (deg_ref[:] + 1.0) + b_ref[:])


def _feast_combine3(s_parts, z, deg, b):
    ch = z.shape[1]
    rb = 2000
    return pl.pallas_call(
        _combine3_body,
        grid=(_N // rb,),
        in_specs=[
            pl.BlockSpec((rb, ch), lambda i: (i, 0)),
            pl.BlockSpec((rb, ch), lambda i: (i, 0)),
            pl.BlockSpec((rb, ch), lambda i: (i, 0)),
            pl.BlockSpec((rb, 1), lambda i: (i, 0)),
            pl.BlockSpec((1, ch), lambda i: (0, 0)),
        ],
        out_specs=pl.BlockSpec((rb, ch), lambda i: (i, 0)),
        out_shape=jax.ShapeDtypeStruct((_N, ch), jnp.float32),
    )(s_parts[0, :_N], s_parts[1, :_N], z, deg, b.reshape(1, -1))


_NP = 10240
_KNN_RB = 256
_BIG = 3e38


def _knn_body(xr_ref, xsT_ref, out_ref, dscr):
    i = pl.program_id(0)
    rb, np_ = dscr.shape
    xsT = xsT_ref[:]
    sqc = jnp.sum(xsT * xsT, axis=0, keepdims=True)
    d = sqc - 2.0 * jnp.dot(xr_ref[:], xsT, preferred_element_type=jnp.float32)
    rows = jax.lax.broadcasted_iota(jnp.int32, (rb, np_), 0) + i * rb
    cols = jax.lax.broadcasted_iota(jnp.int32, (rb, np_), 1)
    d = jnp.where((rows == cols) | (cols >= _N), _BIG, d)
    dscr[:] = d
    m = jnp.min(d, axis=1, keepdims=True)
    for k in range(_K):
        d = dscr[:]
        am = jnp.min(jnp.where(d <= m, cols, np_), axis=1, keepdims=True)
        out_ref[:, pl.ds(k, 1)] = am
        if k + 1 < _K:
            upd = jnp.where(cols == am, _BIG, d)
            dscr[:] = upd
            m = jnp.min(upd, axis=1, keepdims=True)


def _knn_idx(x, k):
    del k
    c = x.shape[1]
    xp = jnp.pad(x, ((0, _NP - _N), (0, 0)))
    idx = pl.pallas_call(
        _knn_body,
        grid=(_NP // _KNN_RB,),
        in_specs=[
            pl.BlockSpec((_KNN_RB, c), lambda i: (i, 0)),
            pl.BlockSpec((c, _NP), lambda i: (0, 0)),
        ],
        out_specs=pl.BlockSpec((_KNN_RB, 8), lambda i: (i, 0)),
        out_shape=jax.ShapeDtypeStruct((_NP, 8), jnp.int32),
        scratch_shapes=[pltpu.VMEM((_KNN_RB, _NP), jnp.float32)],
    )(xp, xp.T)
    return idx[:_N, :_K]


_GC = 15


def _dyn_edge_conv(x, W1, b1, W2, b2, k):
    del k
    cin = x.shape[1]
    nbr = _knn_idx(x, None)
    co = W1.shape[1]
    wcat = jnp.concatenate([W1[:cin], W1[cin:]], axis=1)
    bcat = jnp.concatenate([b1, jnp.zeros((co,), jnp.float32)])
    abb = _dense(x, wcat, bcat)
    a, bb = abb[:, :co], abb[:, co:]
    idx = nbr.reshape(-1)
    idxg = jnp.pad(idx, (0, _NW * _GC * _CW - idx.shape[0]))
    idxg = idxg.reshape(_NSC, _NSUB, _GC, _CW)
    g = _gather_sc_call(bb, idxg, _GC)
    g = g.reshape(_NW * _GC * _CW, -1)[:_N * _K].reshape(_N, _K * co)
    return _edge_tail(a, bb, g, W2, b2)


def _mlp_body(x_ref, w1_ref, b1_ref, w2_ref, b2_ref, w3_ref, b3_ref,
              wo_ref, bo_ref, o_ref):
    h = jax.nn.relu(x_ref[:] @ w1_ref[:] + b1_ref[:])
    h = jax.nn.relu(h @ w2_ref[:] + b2_ref[:])
    h = jax.nn.relu(h @ w3_ref[:] + b3_ref[:])
    o_ref[:] = jax.nn.sigmoid(h @ wo_ref[:] + bo_ref[:])


def _mlp_head(cat1, lin1_W, lin1_b, lin2_W, lin2_b, lin3_W, lin3_b, out_W, out_b):
    rb = 2000
    grid = (_N // rb,)
    full = lambda shape: pl.BlockSpec(shape, lambda i: (0, 0))
    return pl.pallas_call(
        _mlp_body,
        grid=grid,
        in_specs=[
            pl.BlockSpec((rb, 96), lambda i: (i, 0)),
            full((96, 96)), full((1, 96)),
            full((96, 32)), full((1, 32)),
            full((32, 8)), full((1, 8)),
            full((8, 1)), full((1, 1)),
        ],
        out_specs=pl.BlockSpec((rb, 1), lambda i: (i, 0)),
        out_shape=jax.ShapeDtypeStruct((_N, 1), jnp.float32),
    )(cat1, lin1_W, lin1_b.reshape(1, -1), lin2_W, lin2_b.reshape(1, -1),
      lin3_W, lin3_b.reshape(1, -1), out_W, out_b.reshape(1, -1))


def kernel(x, edge_index, conv1_W, conv1_u, conv1_c, conv1_b, conv2_W, conv2_u,
           conv2_c, conv2_b, conv3_W, conv3_u, conv3_c, conv3_b, e1_W1, e1_b1,
           e1_W2, e1_b2, e2_W1, e2_b1, e2_W2, e2_b2, lin1_W, lin1_b, lin2_W,
           lin2_b, lin3_W, lin3_b, out_W, out_b):
    src = edge_index[0]
    dst = edge_index[1]
    pad = _EPAD - src.shape[0]
    srcg = jnp.pad(src, (0, pad)).reshape(_NSC, _NSUB, _EC, _CW)
    dstg = jnp.pad(dst, (0, pad)).reshape(_NSC, _NSUB, _EC, _CW)

    z1 = _dense(x, conv1_W, conv1_b * 0.0)
    zaug1 = jnp.concatenate(
        [z1, jnp.ones((_N, 1), jnp.float32), jnp.zeros((_N, 15), jnp.float32)],
        axis=1)
    s1p = _feast_sc_call(zaug1, srcg, dstg)
    x1, deg = _feast_combine1(s1p, z1, conv1_b)
    y = _dyn_edge_conv(x1, e1_W1, e1_b1, e1_W2, e1_b2, _K)
    cat0 = jnp.concatenate([x1, y], axis=1)
    y2 = _dyn_edge_conv(y, e2_W1, e2_b1, e2_W2, e2_b2, _K)
    z3 = _dense(cat0, conv3_W, conv3_b * 0.0)
    s3p = _feast_sc_call(z3, srcg, dstg)
    x3 = _feast_combine3(s3p, z3, deg, conv3_b)
    cat1 = jnp.concatenate([x3, y2], axis=1)
    return _mlp_head(cat1, lin1_W, lin1_b, lin2_W, lin2_b, lin3_W, lin3_b,
                     out_W, out_b)

# --- scband reference (transcript-rebuilt; emitter-appended) ---
"""Pipeline reference for scband-three-conv-global-57157424775215 (READ-ONLY COPY).

The authoritative reference and input builder live on the scoring server;
editing this copy changes nothing except your own understanding.
"""

import jax
import jax.numpy as jnp
import numpy as np

N_NODES = 10000
N_EDGES = 320000
K = 6


def _feast_conv(x, edge_index, W, u, c, b):
    n = x.shape[0]
    src0 = edge_index[0]
    dst0 = edge_index[1]
    loop = jnp.arange(n)
    src = jnp.concatenate([src0, loop])
    dst = jnp.concatenate([dst0, loop])
    mask = jnp.concatenate([(src0 != dst0), jnp.ones((n,), dtype=bool)]).astype(x.dtype)
    xi = x[dst]
    xj = x[src]
    heads = u.shape[1]
    out_ch = W.shape[1] // heads
    q = jax.nn.softmax((xj - xi) @ u + c, axis=1)
    t = (xj @ W).reshape(-1, heads, out_ch)
    msg = jnp.sum(t * q[:, :, None], axis=1) * mask[:, None]
    s = jax.ops.segment_sum(msg, dst, num_segments=n)
    cnt = jax.ops.segment_sum(mask, dst, num_segments=n)
    return s / jnp.maximum(cnt, 1.0)[:, None] + b


def _knn_idx(x, k):
    xs = jax.lax.stop_gradient(x)
    n = xs.shape[0]
    sq = jnp.sum(xs * xs, axis=1)
    chunk = 2000
    parts = []
    for s0 in range(0, n, chunk):
        xc = xs[s0:s0 + chunk]
        d = sq[s0:s0 + chunk, None] - 2.0 * (xc @ xs.T) + sq[None, :]
        r = jnp.arange(xc.shape[0])
        d = d.at[r, s0 + r].set(jnp.inf)
        _, idx = jax.lax.top_k(-d, k)
        parts.append(idx)
    return jnp.concatenate(parts, axis=0)


def _dyn_edge_conv(x, W1, b1, W2, b2, k):
    nbr = _knn_idx(x, k)
    xi = jnp.broadcast_to(x[:, None, :], (x.shape[0], k, x.shape[1]))
    xj = x[nbr]
    t = jnp.concatenate([xi, xj - xi], axis=-1)
    h = jax.nn.relu(t @ W1 + b1) @ W2 + b2
    return jnp.max(h, axis=1)


def setup_inputs(seed: int = 0):
    key = jax.random.key(seed)
    ks = iter(jax.random.split(key, 40))

    def lin(shape):
        return jax.random.normal(next(ks), shape, dtype=jnp.float32) / np.sqrt(shape[0])

    inp = {}
    inp['x'] = jax.random.normal(next(ks), (N_NODES, 128), dtype=jnp.float32)
    inp['edge_index'] = jax.random.randint(next(ks), (2, N_EDGES), 0, N_NODES)
    inp['conv1_W'] = lin((128, 16))
    inp['conv1_u'] = lin((128, 1))
    inp['conv1_c'] = jnp.zeros((1,), jnp.float32)
    inp['conv1_b'] = jnp.zeros((16,), jnp.float32)
    inp['conv2_W'] = lin((16, 32))
    inp['conv2_u'] = lin((16, 1))
    inp['conv2_c'] = jnp.zeros((1,), jnp.float32)
    inp['conv2_b'] = jnp.zeros((32,), jnp.float32)
    inp['conv3_W'] = lin((48, 64))
    inp['conv3_u'] = lin((48, 1))
    inp['conv3_c'] = jnp.zeros((1,), jnp.float32)
    inp['conv3_b'] = jnp.zeros((64,), jnp.float32)
    inp['e1_W1'] = lin((32, 32))
    inp['e1_b1'] = jnp.zeros((32,), jnp.float32)
    inp['e1_W2'] = lin((32, 32))
    inp['e1_b2'] = jnp.zeros((32,), jnp.float32)
    inp['e2_W1'] = lin((64, 32))
    inp['e2_b1'] = jnp.zeros((32,), jnp.float32)
    inp['e2_W2'] = lin((32, 32))
    inp['e2_b2'] = jnp.zeros((32,), jnp.float32)
    inp['lin1_W'] = lin((96, 96))
    inp['lin1_b'] = jnp.zeros((96,), jnp.float32)
    inp['lin2_W'] = lin((96, 32))
    inp['lin2_b'] = jnp.zeros((32,), jnp.float32)
    inp['lin3_W'] = lin((32, 8))
    inp['lin3_b'] = jnp.zeros((8,), jnp.float32)
    inp['out_W'] = lin((8, 1))
    inp['out_b'] = jnp.zeros((1,), jnp.float32)
    return inp


def reference(x, edge_index, conv1_W, conv1_u, conv1_c, conv1_b, conv2_W, conv2_u, conv2_c, conv2_b, conv3_W, conv3_u, conv3_c, conv3_b, e1_W1, e1_b1, e1_W2, e1_b2, e2_W1, e2_b1, e2_W2, e2_b2, lin1_W, lin1_b, lin2_W, lin2_b, lin3_W, lin3_b, out_W, out_b):
    x1 = jax.nn.relu(_feast_conv(x, edge_index, conv1_W, conv1_u, conv1_c, conv1_b))
    y = jax.nn.relu(_dyn_edge_conv(x1, e1_W1, e1_b1, e1_W2, e1_b2, K))
    cat0 = jnp.concatenate([x1, y], axis=1)
    x2 = jax.nn.relu(_feast_conv(x1, edge_index, conv2_W, conv2_u, conv2_c, conv2_b))
    y2 = jax.nn.relu(_dyn_edge_conv(y, e2_W1, e2_b1, e2_W2, e2_b2, K))
    x3 = jax.nn.relu(_feast_conv(cat0, edge_index, conv3_W, conv3_u, conv3_c, conv3_b))
    del x2
    cat1 = jnp.concatenate([x3, y2], axis=1)
    h = jax.nn.relu(cat1 @ lin1_W + lin1_b)
    h = jax.nn.relu(h @ lin2_W + lin2_b)
    h = jax.nn.relu(h @ lin3_W + lin3_b)
    h = jax.nn.relu(h)
    return jax.nn.sigmoid(h @ out_W + out_b)

if __name__ == "__main__":
    import jax
    _d = setup_inputs()
    print(jax.jit(kernel)(*tuple(_d.values())))

</pallas_src>

<mosaic_0001>
#map = affine_map<(d0, d1) -> (0, 0)>
#map1 = affine_map<(d0, d1) -> (0, 0, 0, 0)>
#map2 = affine_map<(d0, d1) -> (0, 0, 0)>
module attributes {stable_mosaic.version = 14 : i64} {
  func.func @body(%arg0: i32, %arg1: i32, %arg2: memref<10000x64xf32, #tpu.memory_space<hbm>>, %arg3: memref<2x16x79x128xi32, #tpu.memory_space<hbm>>, %arg4: memref<2x16x79x128xi32, #tpu.memory_space<hbm>>, %arg5: memref<640x64xf32, #tpu.memory_space<hbm>>, %arg6: memref<2x10240x64xf32, #tpu.memory_space<hbm>>, %arg7: memref<10240x64xf32, #tpu.memory_space<vmem_shared>>, %arg8: memref<79x128xi32, #tpu.memory_space<vmem>>, %arg9: memref<79x128xi32, #tpu.memory_space<vmem>>, %arg10: memref<128xi32, #tpu.memory_space<vmem>>, %arg11: memref<128x64xf32, #tpu.memory_space<vmem>>, %arg12: memref<640x64xf32, #tpu.memory_space<vmem>>, %arg13: memref<!tpu.dma_semaphore, #tpu.memory_space<semaphore_mem>>) attributes {dimension_semantics = [#tpu.dimension_semantics<core_parallel>, #tpu.dimension_semantics<subcore_parallel>], iteration_bounds = array<i64: 2, 16>, scalar_prefetch = 0 : i64, scratch_operands = 7 : i64, tpu.core_type = #tpu.core_type<sc_vector_subcore>, window_params = [{transform_indices = #map}, {transform_indices = #map1}, {transform_indices = #map1}, {transform_indices = #map}, {transform_indices = #map2}]} {
    %mul3A = arith.constant 640 : i32
    %mul3A_0 = arith.muli %arg1, %mul3A : i32
    "tpu.region"() ({
      %run_scoped3A = tpu.sem_alloc : memref<!tpu.dma_semaphore, #tpu.memory_space<semaphore_mem>>
      tpu.enqueue_dma source(%arg5 : memref<640x64xf32, #tpu.memory_space<hbm>>) target(%arg12 : memref<640x64xf32, #tpu.memory_space<vmem>>) target_semaphore(%run_scoped3A : memref<!tpu.dma_semaphore, #tpu.memory_space<semaphore_mem>>)
      tpu.wait_dma2 semaphore(%run_scoped3A : memref<!tpu.dma_semaphore, #tpu.memory_space<semaphore_mem>>) src(%arg5 : memref<640x64xf32, #tpu.memory_space<hbm>>) dst(%arg12 : memref<640x64xf32, #tpu.memory_space<vmem>>)
      tpu.yield
    }) : () -> ()
    "tpu.region"() ({
      %run_scoped3A = tpu.sem_alloc : memref<!tpu.dma_semaphore, #tpu.memory_space<semaphore_mem>>
      %dma_start3A = arith.constant 0 : i32
      %dma_start3A_7 = tpu.memref_slice %arg7[%mul3A_0, %dma_start3A] : memref<10240x64xf32, #tpu.memory_space<vmem_shared>> -> memref<640x64xf32, #tpu.memory_space<vmem_shared>>
      %dma_start3A_8 = arith.constant 0 : i32
      %dma_start3A_9 = tpu.memref_slice %arg7[%mul3A_0, %dma_start3A_8] : memref<10240x64xf32, #tpu.memory_space<vmem_shared>> -> memref<640x64xf32, #tpu.memory_space<vmem_shared>>
      tpu.enqueue_dma source(%arg12 : memref<640x64xf32, #tpu.memory_space<vmem>>) target(%dma_start3A_9 : memref<640x64xf32, #tpu.memory_space<vmem_shared>>) target_semaphore(%run_scoped3A : memref<!tpu.dma_semaphore, #tpu.memory_space<semaphore_mem>>)
      %dma_wait3A = arith.constant 0 : i32
      %dma_wait3A_10 = tpu.memref_slice %arg7[%mul3A_0, %dma_wait3A] : memref<10240x64xf32, #tpu.memory_space<vmem_shared>> -> memref<640x64xf32, #tpu.memory_space<vmem_shared>>
      %dma_wait3A_11 = arith.constant 0 : i32
      %dma_wait3A_12 = tpu.memref_slice %arg7[%mul3A_0, %dma_wait3A_11] : memref<10240x64xf32, #tpu.memory_space<vmem_shared>> -> memref<640x64xf32, #tpu.memory_space<vmem_shared>>
      tpu.wait_dma2 semaphore(%run_scoped3A : memref<!tpu.dma_semaphore, #tpu.memory_space<semaphore_mem>>) src(%arg12 : memref<640x64xf32, #tpu.memory_space<vmem>>) dst(%dma_wait3A_12 : memref<640x64xf32, #tpu.memory_space<vmem_shared>>)
      tpu.yield
    }) : () -> ()
    "tpu.region"() ({
      %run_scoped3A = tpu.sem_alloc : memref<!tpu.dma_semaphore, #tpu.memory_space<semaphore_mem>>
      %dma_start3A = arith.constant 0 : i32
      %dma_start3A_7 = arith.constant 0 : i32
      %dma_start3A_8 = tpu.memref_slice %arg3[%arg0, %arg1, %dma_start3A, %dma_start3A_7] : memref<2x16x79x128xi32, #tpu.memory_space<hbm>> -> memref<1x1x79x128xi32, #tpu.memory_space<hbm>>
      %dma_start3A_9 = tpu.memref_squeeze %dma_start3A_8 : memref<1x1x79x128xi32, #tpu.memory_space<hbm>> -> memref<79x128xi32, #tpu.memory_space<hbm>>
      %dma_start3A_10 = arith.constant 0 : i32
      %dma_start3A_11 = arith.constant 0 : i32
      %dma_start3A_12 = tpu.memref_slice %arg3[%arg0, %arg1, %dma_start3A_10, %dma_start3A_11] : memref<2x16x79x128xi32, #tpu.memory_space<hbm>> -> memref<1x1x79x128xi32, #tpu.memory_space<hbm>>
      %dma_start3A_13 = tpu.memref_squeeze %dma_start3A_12 : memref<1x1x79x128xi32, #tpu.memory_space<hbm>> -> memref<79x128xi32, #tpu.memory_space<hbm>>
      tpu.enqueue_dma source(%dma_start3A_13 : memref<79x128xi32, #tpu.memory_space<hbm>>) target(%arg8 : memref<79x128xi32, #tpu.memory_space<vmem>>) target_semaphore(%run_scoped3A : memref<!tpu.dma_semaphore, #tpu.memory_space<semaphore_mem>>)
      %dma_wait3A = arith.constant 0 : i32
      %dma_wait3A_14 = arith.constant 0 : i32
      %dma_wait3A_15 = tpu.memref_slice %arg3[%arg0, %arg1, %dma_wait3A, %dma_wait3A_14] : memref<2x16x79x128xi32, #tpu.memory_space<hbm>> -> memref<1x1x79x128xi32, #tpu.memory_space<hbm>>
      %dma_wait3A_16 = tpu.memref_squeeze %dma_wait3A_15 : memref<1x1x79x128xi32, #tpu.memory_space<hbm>> -> memref<79x128xi32, #tpu.memory_space<hbm>>
      %dma_wait3A_17 = arith.constant 0 : i32
      %dma_wait3A_18 = arith.constant 0 : i32
      %dma_wait3A_19 = tpu.memref_slice %arg3[%arg0, %arg1, %dma_wait3A_17, %dma_wait3A_18] : memref<2x16x79x128xi32, #tpu.memory_space<hbm>> -> memref<1x1x79x128xi32, #tpu.memory_space<hbm>>
      %dma_wait3A_20 = tpu.memref_squeeze %dma_wait3A_19 : memref<1x1x79x128xi32, #tpu.memory_space<hbm>> -> memref<79x128xi32, #tpu.memory_space<hbm>>
      tpu.wait_dma2 semaphore(%run_scoped3A : memref<!tpu.dma_semaphore, #tpu.memory_space<semaphore_mem>>) src(%dma_wait3A_20 : memref<79x128xi32, #tpu.memory_space<hbm>>) dst(%arg8 : memref<79x128xi32, #tpu.memory_space<vmem>>)
      tpu.yield
    }) : () -> ()
    "tpu.region"() ({
      %run_scoped3A = tpu.sem_alloc : memref<!tpu.dma_semaphore, #tpu.memory_space<semaphore_mem>>
      %dma_start3A = arith.constant 0 : i32
      %dma_start3A_7 = arith.constant 0 : i32
      %dma_start3A_8 = tpu.memref_slice %arg4[%arg0, %arg1, %dma_start3A, %dma_start3A_7] : memref<2x16x79x128xi32, #tpu.memory_space<hbm>> -> memref<1x1x79x128xi32, #tpu.memory_space<hbm>>
      %dma_start3A_9 = tpu.memref_squeeze %dma_start3A_8 : memref<1x1x79x128xi32, #tpu.memory_space<hbm>> -> memref<79x128xi32, #tpu.memory_space<hbm>>
      %dma_start3A_10 = arith.constant 0 : i32
      %dma_start3A_11 = arith.constant 0 : i32
      %dma_start3A_12 = tpu.memref_slice %arg4[%arg0, %arg1, %dma_start3A_10, %dma_start3A_11] : memref<2x16x79x128xi32, #tpu.memory_space<hbm>> -> memref<1x1x79x128xi32, #tpu.memory_space<hbm>>
      %dma_start3A_13 = tpu.memref_squeeze %dma_start3A_12 : memref<1x1x79x128xi32, #tpu.memory_space<hbm>> -> memref<79x128xi32, #tpu.memory_space<hbm>>
      tpu.enqueue_dma source(%dma_start3A_13 : memref<79x128xi32, #tpu.memory_space<hbm>>) target(%arg9 : memref<79x128xi32, #tpu.memory_space<vmem>>) target_semaphore(%run_scoped3A : memref<!tpu.dma_semaphore, #tpu.memory_space<semaphore_mem>>)
      %dma_wait3A = arith.constant 0 : i32
      %dma_wait3A_14 = arith.constant 0 : i32
      %dma_wait3A_15 = tpu.memref_slice %arg4[%arg0, %arg1, %dma_wait3A, %dma_wait3A_14] : memref<2x16x79x128xi32, #tpu.memory_space<hbm>> -> memref<1x1x79x128xi32, #tpu.memory_space<hbm>>
      %dma_wait3A_16 = tpu.memref_squeeze %dma_wait3A_15 : memref<1x1x79x128xi32, #tpu.memory_space<hbm>> -> memref<79x128xi32, #tpu.memory_space<hbm>>
      %dma_wait3A_17 = arith.constant 0 : i32
      %dma_wait3A_18 = arith.constant 0 : i32
      %dma_wait3A_19 = tpu.memref_slice %arg4[%arg0, %arg1, %dma_wait3A_17, %dma_wait3A_18] : memref<2x16x79x128xi32, #tpu.memory_space<hbm>> -> memref<1x1x79x128xi32, #tpu.memory_space<hbm>>
      %dma_wait3A_20 = tpu.memref_squeeze %dma_wait3A_19 : memref<1x1x79x128xi32, #tpu.memory_space<hbm>> -> memref<79x128xi32, #tpu.memory_space<hbm>>
      tpu.wait_dma2 semaphore(%run_scoped3A : memref<!tpu.dma_semaphore, #tpu.memory_space<semaphore_mem>>) src(%dma_wait3A_20 : memref<79x128xi32, #tpu.memory_space<hbm>>) dst(%arg9 : memref<79x128xi32, #tpu.memory_space<vmem>>)
      tpu.yield
    }) : () -> ()
    %barrier3A = arith.constant 0 : index
    tpu.barrier barrier_id(%barrier3A)
    %scan3A = arith.constant 0 : i32
    %scan3A_1 = arith.constant 0 : i32
    %scan3A_2 = arith.constant 79 : i32
    %scan3A_3 = arith.addi %scan3A_1, %scan3A_2 : i32
    %scan3A_4 = arith.constant 1 : i32
    scf.for %scan3A_7 = %scan3A_1 to %scan3A_3 step %scan3A_4  : i32 {
      %get3A = arith.index_cast %scan3A_7 : i32 to index
      %get3A_8 = arith.constant 0 : index
      %get3A_9 = tpu.vector_load %arg8[%get3A, %get3A_8] {strides = array<i32>} : memref<79x128xi32, #tpu.memory_space<vmem>>, vector<1x16xi32>,
      %get3A_10 = vector.shape_cast %get3A_9 : vector<1x16xi32> to vector<16xi32>
      %get3A_11 = arith.index_cast %scan3A_7 : i32 to index
      %get3A_12 = arith.constant 0 : index
      %get3A_13 = tpu.vector_load %arg9[%get3A_11, %get3A_12] {strides = array<i32>} : memref<79x128xi32, #tpu.memory_space<vmem>>, vector<1x16xi32>,
      %get3A_14 = vector.shape_cast %get3A_13 : vector<1x16xi32> to vector<16xi32>
      %iota3A = tpu.iota {dimensions = array<i32: 0>} : vector<16xi32>
      %add3A = arith.constant 10000 : i32
      %add3A_15 = vector.broadcast %add3A : i32 to vector<16xi32>
      %add3A_16 = arith.addi %add3A_15, %iota3A : vector<16xi32>
      %eq3A = arith.cmpi eq, %get3A_10, %get3A_14 : vector<16xi32>
      %select_n3A = arith.select %eq3A, %add3A_16, %get3A_14 : vector<16xi1>, vector<16xi32>
      %swap3A = arith.constant 0 : index
      %swap3A_17 = tpu.vector_load %arg10[%swap3A] {strides = array<i32>} : memref<128xi32, #tpu.memory_space<vmem>>, vector<16xi32>,
      %swap3A_18 = vector.shape_cast %swap3A_17 : vector<16xi32> to vector<16xi32>
      %swap3A_19 = vector.shape_cast %select_n3A : vector<16xi32> to vector<16xi32>
      tpu.vector_store %arg10[%swap3A], %swap3A_19 {strides = array<i32>} : memref<128xi32, #tpu.memory_space<vmem>>, vector<16xi32>,
      %get3A_20 = arith.index_cast %scan3A_7 : i32 to index
      %get3A_21 = arith.constant 16 : index
      %get3A_22 = tpu.vector_load %arg8[%get3A_20, %get3A_21] {strides = array<i32>} : memref<79x128xi32, #tpu.memory_space<vmem>>, vector<1x16xi32>,
      %get3A_23 = vector.shape_cast %get3A_22 : vector<1x16xi32> to vector<16xi32>
      %get3A_24 = arith.index_cast %scan3A_7 : i32 to index
      %get3A_25 = arith.constant 16 : index
      %get3A_26 = tpu.vector_load %arg9[%get3A_24, %get3A_25] {strides = array<i32>} : memref<79x128xi32, #tpu.memory_space<vmem>>, vector<1x16xi32>,
      %get3A_27 = vector.shape_cast %get3A_26 : vector<1x16xi32> to vector<16xi32>
      %iota3A_28 = tpu.iota {dimensions = array<i32: 0>} : vector<16xi32>
      %add3A_29 = arith.constant 10016 : i32
      %add3A_30 = vector.broadcast %add3A_29 : i32 to vector<16xi32>
      %add3A_31 = arith.addi %add3A_30, %iota3A_28 : vector<16xi32>
      %eq3A_32 = arith.cmpi eq, %get3A_23, %get3A_27 : vector<16xi32>
      %select_n3A_33 = arith.select %eq3A_32, %add3A_31, %get3A_27 : vector<16xi1>, vector<16xi32>
      %swap3A_34 = arith.constant 16 : index
      %swap3A_35 = tpu.vector_load %arg10[%swap3A_34] {strides = array<i32>} : memref<128xi32, #tpu.memory_space<vmem>>, vector<16xi32>,
      %swap3A_36 = vector.shape_cast %swap3A_35 : vector<16xi32> to vector<16xi32>
      %swap3A_37 = vector.shape_cast %select_n3A_33 : vector<16xi32> to vector<16xi32>
      tpu.vector_store %arg10[%swap3A_34], %swap3A_37 {strides = array<i32>} : memref<128xi32, #tpu.memory_space<vmem>>, vector<16xi32>,
      %get3A_38 = arith.index_cast %scan3A_7 : i32 to index
      %get3A_39 = arith.constant 32 : index
      %get3A_40 = tpu.vector_load %arg8[%get3A_38, %get3A_39] {strides = array<i32>} : memref<79x128xi32, #tpu.memory_space<vmem>>, vector<1x16xi32>,
      %get3A_41 = vector.shape_cast %get3A_40 : vector<1x16xi32> to vector<16xi32>
      %get3A_42 = arith.index_cast %scan3A_7 : i32 to index
      %get3A_43 = arith.constant 32 : index
      %get3A_44 = tpu.vector_load %arg9[%get3A_42, %get3A_43] {strides = array<i32>} : memref<79x128xi32, #tpu.memory_space<vmem>>, vector<1x16xi32>,
      %get3A_45 = vector.shape_cast %get3A_44 : vector<1x16xi32> to vector<16xi32>
      %iota3A_46 = tpu.iota {dimensions = array<i32: 0>} : vector<16xi32>
      %add3A_47 = arith.constant 10032 : i32
      %add3A_48 = vector.broadcast %add3A_47 : i32 to vector<16xi32>
      %add3A_49 = arith.addi %add3A_48, %iota3A_46 : vector<16xi32>
      %eq3A_50 = arith.cmpi eq, %get3A_41, %get3A_45 : vector<16xi32>
      %select_n3A_51 = arith.select %eq3A_50, %add3A_49, %get3A_45 : vector<16xi1>, vector<16xi32>
      %swap3A_52 = arith.constant 32 : index
      %swap3A_53 = tpu.vector_load %arg10[%swap3A_52] {strides = array<i32>} : memref<128xi32, #tpu.memory_space<vmem>>, vector<16xi32>,
      %swap3A_54 = vector.shape_cast %swap3A_53 : vector<16xi32> to vector<16xi32>
      %swap3A_55 = vector.shape_cast %select_n3A_51 : vector<16xi32> to vector<16xi32>
      tpu.vector_store %arg10[%swap3A_52], %swap3A_55 {strides = array<i32>} : memref<128xi32, #tpu.memory_space<vmem>>, vector<16xi32>,
      %get3A_56 = arith.index_cast %scan3A_7 : i32 to index
      %get3A_57 = arith.constant 48 : index
      %get3A_58 = tpu.vector_load %arg8[%get3A_56, %get3A_57] {strides = array<i32>} : memref<79x128xi32, #tpu.memory_space<vmem>>, vector<1x16xi32>,
      %get3A_59 = vector.shape_cast %get3A_58 : vector<1x16xi32> to vector<16xi32>
      %get3A_60 = arith.index_cast %scan3A_7 : i32 to index
      %get3A_61 = arith.constant 48 : index
      %get3A_62 = tpu.vector_load %arg9[%get3A_60, %get3A_61] {strides = array<i32>} : memref<79x128xi32, #tpu.memory_space<vmem>>, vector<1x16xi32>,
      %get3A_63 = vector.shape_cast %get3A_62 : vector<1x16xi32> to vector<16xi32>
      %iota3A_64 = tpu.iota {dimensions = array<i32: 0>} : vector<16xi32>
      %add3A_65 = arith.constant 10048 : i32
      %add3A_66 = vector.broadcast %add3A_65 : i32 to vector<16xi32>
      %add3A_67 = arith.addi %add3A_66, %iota3A_64 : vector<16xi32>
      %eq3A_68 = arith.cmpi eq, %get3A_59, %get3A_63 : vector<16xi32>
      %select_n3A_69 = arith.select %eq3A_68, %add3A_67, %get3A_63 : vector<16xi1>, vector<16xi32>
      %swap3A_70 = arith.constant 48 : index
      %swap3A_71 = tpu.vector_load %arg10[%swap3A_70] {strides = array<i32>} : memref<128xi32, #tpu.memory_space<vmem>>, vector<16xi32>,
      %swap3A_72 = vector.shape_cast %swap3A_71 : vector<16xi32> to vector<16xi32>
      %swap3A_73 = vector.shape_cast %select_n3A_69 : vector<16xi32> to vector<16xi32>
      tpu.vector_store %arg10[%swap3A_70], %swap3A_73 {strides = array<i32>} : memref<128xi32, #tpu.memory_space<vmem>>, vector<16xi32>,
      %get3A_74 = arith.index_cast %scan3A_7 : i32 to index
      %get3A_75 = arith.constant 64 : index
      %get3A_76 = tpu.vector_load %arg8[%get3A_74, %get3A_75] {strides = array<i32>} : memref<79x128xi32, #tpu.memory_space<vmem>>, vector<1x16xi32>,
      %get3A_77 = vector.shape_cast %get3A_76 : vector<1x16xi32> to vector<16xi32>
      %get3A_78 = arith.index_cast %scan3A_7 : i32 to index
      %get3A_79 = arith.constant 64 : index
      %get3A_80 = tpu.vector_load %arg9[%get3A_78, %get3A_79] {strides = array<i32>} : memref<79x128xi32, #tpu.memory_space<vmem>>, vector<1x16xi32>,
      %get3A_81 = vector.shape_cast %get3A_80 : vector<1x16xi32> to vector<16xi32>
      %iota3A_82 = tpu.iota {dimensions = array<i32: 0>} : vector<16xi32>
      %add3A_83 = arith.constant 10064 : i32
      %add3A_84 = vector.broadcast %add3A_83 : i32 to vector<16xi32>
      %add3A_85 = arith.addi %add3A_84, %iota3A_82 : vector<16xi32>
      %eq3A_86 = arith.cmpi eq, %get3A_77, %get3A_81 : vector<16xi32>
      %select_n3A_87 = arith.select %eq3A_86, %add3A_85, %get3A_81 : vector<16xi1>, vector<16xi32>
      %swap3A_88 = arith.constant 64 : index
      %swap3A_89 = tpu.vector_load %arg10[%swap3A_88] {strides = array<i32>} : memref<128xi32, #tpu.memory_space<vmem>>, vector<16xi32>,
      %swap3A_90 = vector.shape_cast %swap3A_89 : vector<16xi32> to vector<16xi32>
      %swap3A_91 = vector.shape_cast %select_n3A_87 : vector<16xi32> to vector<16xi32>
      tpu.vector_store %arg10[%swap3A_88], %swap3A_91 {strides = array<i32>} : memref<128xi32, #tpu.memory_space<vmem>>, vector<16xi32>,
      %get3A_92 = arith.index_cast %scan3A_7 : i32 to index
      %get3A_93 = arith.constant 80 : index
      %get3A_94 = tpu.vector_load %arg8[%get3A_92, %get3A_93] {strides = array<i32>} : memref<79x128xi32, #tpu.memory_space<vmem>>, vector<1x16xi32>,
      %get3A_95 = vector.shape_cast %get3A_94 : vector<1x16xi32> to vector<16xi32>
      %get3A_96 = arith.index_cast %scan3A_7 : i32 to index
      %get3A_97 = arith.constant 80 : index
      %get3A_98 = tpu.vector_load %arg9[%get3A_96, %get3A_97] {strides = array<i32>} : memref<79x128xi32, #tpu.memory_space<vmem>>, vector<1x16xi32>,
      %get3A_99 = vector.shape_cast %get3A_98 : vector<1x16xi32> to vector<16xi32>
      %iota3A_100 = tpu.iota {dimensions = array<i32: 0>} : vector<16xi32>
      %add3A_101 = arith.constant 10080 : i32
      %add3A_102 = vector.broadcast %add3A_101 : i32 to vector<16xi32>
      %add3A_103 = arith.addi %add3A_102, %iota3A_100 : vector<16xi32>
      %eq3A_104 = arith.cmpi eq, %get3A_95, %get3A_99 : vector<16xi32>
      %select_n3A_105 = arith.select %eq3A_104, %add3A_103, %get3A_99 : vector<16xi1>, vector<16xi32>
      %swap3A_106 = arith.constant 80 : index
      %swap3A_107 = tpu.vector_load %arg10[%swap3A_106] {strides = array<i32>} : memref<128xi32, #tpu.memory_space<vmem>>, vector<16xi32>,
      %swap3A_108 = vector.shape_cast %swap3A_107 : vector<16xi32> to vector<16xi32>
      %swap3A_109 = vector.shape_cast %select_n3A_105 : vector<16xi32> to vector<16xi32>
      tpu.vector_store %arg10[%swap3A_106], %swap3A_109 {strides = array<i32>} : memref<128xi32, #tpu.memory_space<vmem>>, vector<16xi32>,
      %get3A_110 = arith.index_cast %scan3A_7 : i32 to index
      %get3A_111 = arith.constant 96 : index
      %get3A_112 = tpu.vector_load %arg8[%get3A_110, %get3A_111] {strides = array<i32>} : memref<79x128xi32, #tpu.memory_space<vmem>>, vector<1x16xi32>,
      %get3A_113 = vector.shape_cast %get3A_112 : vector<1x16xi32> to vector<16xi32>
      %get3A_114 = arith.index_cast %scan3A_7 : i32 to index
      %get3A_115 = arith.constant 96 : index
      %get3A_116 = tpu.vector_load %arg9[%get3A_114, %get3A_115] {strides = array<i32>} : memref<79x128xi32, #tpu.memory_space<vmem>>, vector<1x16xi32>,
      %get3A_117 = vector.shape_cast %get3A_116 : vector<1x16xi32> to vector<16xi32>
      %iota3A_118 = tpu.iota {dimensions = array<i32: 0>} : vector<16xi32>
      %add3A_119 = arith.constant 10096 : i32
      %add3A_120 = vector.broadcast %add3A_119 : i32 to vector<16xi32>
      %add3A_121 = arith.addi %add3A_120, %iota3A_118 : vector<16xi32>
      %eq3A_122 = arith.cmpi eq, %get3A_113, %get3A_117 : vector<16xi32>
      %select_n3A_123 = arith.select %eq3A_122, %add3A_121, %get3A_117 : vector<16xi1>, vector<16xi32>
      %swap3A_124 = arith.constant 96 : index
      %swap3A_125 = tpu.vector_load %arg10[%swap3A_124] {strides = array<i32>} : memref<128xi32, #tpu.memory_space<vmem>>, vector<16xi32>,
      %swap3A_126 = vector.shape_cast %swap3A_125 : vector<16xi32> to vector<16xi32>
      %swap3A_127 = vector.shape_cast %select_n3A_123 : vector<16xi32> to vector<16xi32>
      tpu.vector_store %arg10[%swap3A_124], %swap3A_127 {strides = array<i32>} : memref<128xi32, #tpu.memory_space<vmem>>, vector<16xi32>,
      %get3A_128 = arith.index_cast %scan3A_7 : i32 to index
      %get3A_129 = arith.constant 112 : index
      %get3A_130 = tpu.vector_load %arg8[%get3A_128, %get3A_129] {strides = array<i32>} : memref<79x128xi32, #tpu.memory_space<vmem>>, vector<1x16xi32>,
      %get3A_131 = vector.shape_cast %get3A_130 : vector<1x16xi32> to vector<16xi32>
      %get3A_132 = arith.index_cast %scan3A_7 : i32 to index
      %get3A_133 = arith.constant 112 : index
      %get3A_134 = tpu.vector_load %arg9[%get3A_132, %get3A_133] {strides = array<i32>} : memref<79x128xi32, #tpu.memory_space<vmem>>, vector<1x16xi32>,
      %get3A_135 = vector.shape_cast %get3A_134 : vector<1x16xi32> to vector<16xi32>
      %iota3A_136 = tpu.iota {dimensions = array<i32: 0>} : vector<16xi32>
      %add3A_137 = arith.constant 10112 : i32
      %add3A_138 = vector.broadcast %add3A_137 : i32 to vector<16xi32>
      %add3A_139 = arith.addi %add3A_138, %iota3A_136 : vector<16xi32>
      %eq3A_140 = arith.cmpi eq, %get3A_131, %get3A_135 : vector<16xi32>
      %select_n3A_141 = arith.select %eq3A_140, %add3A_139, %get3A_135 : vector<16xi1>, vector<16xi32>
      %swap3A_142 = arith.constant 112 : index
      %swap3A_143 = tpu.vector_load %arg10[%swap3A_142] {strides = array<i32>} : memref<128xi32, #tpu.memory_space<vmem>>, vector<16xi32>,
      %swap3A_144 = vector.shape_cast %swap3A_143 : vector<16xi32> to vector<16xi32>
      %swap3A_145 = vector.shape_cast %select_n3A_141 : vector<16xi32> to vector<16xi32>
      tpu.vector_store %arg10[%swap3A_142], %swap3A_145 {strides = array<i32>} : memref<128xi32, #tpu.memory_space<vmem>>, vector<16xi32>,
      %dma_start3A = arith.constant 0 : i32
      %dma_start3A_146 = tpu.memref_slice %arg8[%scan3A_7, %dma_start3A] : memref<79x128xi32, #tpu.memory_space<vmem>> -> memref<1x128xi32, #tpu.memory_space<vmem>>
      %dma_start3A_147 = tpu.memref_squeeze %dma_start3A_146 : memref<1x128xi32, #tpu.memory_space<vmem>> -> memref<128xi32, #tpu.memory_space<vmem>>
      %dma_start3A_148 = arith.constant 0 : i32
      %dma_start3A_149 = arith.constant 0 : i32
      %dma_start3A_150 = tpu.memref_slice %arg2[%dma_start3A_148, %dma_start3A_149] : memref<10000x64xf32, #tpu.memory_space<hbm>> -> memref<10000x64xf32, #tpu.memory_space<hbm>>
      tpu.enqueue_indirect_dma source(%dma_start3A_150 : memref<10000x64xf32, #tpu.memory_space<hbm>>) target(%arg11 : memref<128x64xf32, #tpu.memory_space<vmem>>) offsets(%dma_start3A_147 : memref<128xi32, #tpu.memory_space<vmem>>) semaphore(%arg13 : memref<!tpu.dma_semaphore, #tpu.memory_space<semaphore_mem>>)
      %dma_wait3A = arith.constant 0 : i32
      %dma_wait3A_151 = tpu.memref_slice %arg8[%scan3A_7, %dma_wait3A] : memref<79x128xi32, #tpu.memory_space<vmem>> -> memref<1x128xi32, #tpu.memory_space<vmem>>
      %dma_wait3A_152 = tpu.memref_squeeze %dma_wait3A_151 : memref<1x128xi32, #tpu.memory_space<vmem>> -> memref<128xi32, #tpu.memory_space<vmem>>
      %dma_wait3A_153 = arith.constant 0 : i32
      %dma_wait3A_154 = arith.constant 0 : i32
      %dma_wait3A_155 = tpu.memref_slice %arg2[%dma_wait3A_153, %dma_wait3A_154] : memref<10000x64xf32, #tpu.memory_space<hbm>> -> memref<10000x64xf32, #tpu.memory_space<hbm>>
      tpu.wait_indirect_dma semaphore(%arg13 : memref<!tpu.dma_semaphore, #tpu.memory_space<semaphore_mem>>) src(%dma_wait3A_155 : memref<10000x64xf32, #tpu.memory_space<hbm>>) dst(%arg11 : memref<128x64xf32, #tpu.memory_space<vmem>>)
      "tpu.region"() ({
        %run_scoped3A = tpu.sem_alloc : memref<!tpu.dma_semaphore, #tpu.memory_space<semaphore_mem>>
        %dma_start3A_156 = arith.constant 0 : i32
        %dma_start3A_157 = arith.constant 0 : i32
        %dma_start3A_158 = tpu.memref_slice %arg7[%dma_start3A_156, %dma_start3A_157] : memref<10240x64xf32, #tpu.memory_space<vmem_shared>> -> memref<10240x64xf32, #tpu.memory_space<vmem_shared>>
        tpu.enqueue_indirect_dma source(%arg11 : memref<128x64xf32, #tpu.memory_space<vmem>>) target(%dma_start3A_158 : memref<10240x64xf32, #tpu.memory_space<vmem_shared>>) offsets(%arg10 : memref<128xi32, #tpu.memory_space<vmem>>) semaphore(%run_scoped3A : memref<!tpu.dma_semaphore, #tpu.memory_space<semaphore_mem>>) {add = true}
        %dma_wait3A_159 = arith.constant 0 : i32
        %dma_wait3A_160 = arith.constant 0 : i32
        %dma_wait3A_161 = tpu.memref_slice %arg7[%dma_wait3A_159, %dma_wait3A_160] : memref<10240x64xf32, #tpu.memory_space<vmem_shared>> -> memref<10240x64xf32, #tpu.memory_space<vmem_shared>>
        tpu.wait_indirect_dma semaphore(%run_scoped3A : memref<!tpu.dma_semaphore, #tpu.memory_space<semaphore_mem>>) src(%arg11 : memref<128x64xf32, #tpu.memory_space<vmem>>) dst(%dma_wait3A_161 : memref<10240x64xf32, #tpu.memory_space<vmem_shared>>)
        tpu.yield
      }) : () -> ()
    }
    %scan3A_5 = arith.constant 79 : i32
    %barrier3A_6 = arith.constant 0 : index
    tpu.barrier barrier_id(%barrier3A_6)
    "tpu.region"() ({
      %run_scoped3A = tpu.sem_alloc : memref<!tpu.dma_semaphore, #tpu.memory_space<semaphore_mem>>
      %dma_start3A = arith.constant 0 : i32
      %dma_start3A_7 = tpu.memref_slice %arg6[%arg0, %mul3A_0, %dma_start3A] : memref<2x10240x64xf32, #tpu.memory_space<hbm>> -> memref<1x640x64xf32, #tpu.memory_space<hbm>>
      %dma_start3A_8 = tpu.memref_squeeze %dma_start3A_7 : memref<1x640x64xf32, #tpu.memory_space<hbm>> -> memref<640x64xf32, #tpu.memory_space<hbm>>
      %dma_start3A_9 = arith.constant 0 : i32
      %dma_start3A_10 = tpu.memref_slice %arg7[%mul3A_0, %dma_start3A_9] : memref<10240x64xf32, #tpu.memory_space<vmem_shared>> -> memref<640x64xf32, #tpu.memory_space<vmem_shared>>
      tpu.enqueue_dma source(%dma_start3A_10 : memref<640x64xf32, #tpu.memory_space<vmem_shared>>) target(%dma_start3A_8 : memref<640x64xf32, #tpu.memory_space<hbm>>) target_semaphore(%run_scoped3A : memref<!tpu.dma_semaphore, #tpu.memory_space<semaphore_mem>>)
      %dma_wait3A = arith.constant 0 : i32
      %dma_wait3A_11 = tpu.memref_slice %arg6[%arg0, %mul3A_0, %dma_wait3A] : memref<2x10240x64xf32, #tpu.memory_space<hbm>> -> memref<1x640x64xf32, #tpu.memory_space<hbm>>
      %dma_wait3A_12 = tpu.memref_squeeze %dma_wait3A_11 : memref<1x640x64xf32, #tpu.memory_space<hbm>> -> memref<640x64xf32, #tpu.memory_space<hbm>>
      %dma_wait3A_13 = arith.constant 0 : i32
      %dma_wait3A_14 = tpu.memref_slice %arg7[%mul3A_0, %dma_wait3A_13] : memref<10240x64xf32, #tpu.memory_space<vmem_shared>> -> memref<640x64xf32, #tpu.memory_space<vmem_shared>>
      tpu.wait_dma2 semaphore(%run_scoped3A : memref<!tpu.dma_semaphore, #tpu.memory_space<semaphore_mem>>) src(%dma_wait3A_14 : memref<640x64xf32, #tpu.memory_space<vmem_shared>>) dst(%dma_wait3A_12 : memref<640x64xf32, #tpu.memory_space<hbm>>)
      tpu.yield
    }) : () -> ()
    return
  }
}

#map = affine_map<(d0, d1) -> (0, 0)>
#map1 = affine_map<(d0, d1) -> (0, 0, 0, 0)>
#map2 = affine_map<(d0, d1) -> (0, 0, 0)>
module attributes {stable_mosaic.version = 14 : i64} {
  func.func @body(%arg0: i32, %arg1: i32, %arg2: memref<10000x32xf32, #tpu.memory_space<hbm>>, %arg3: memref<2x16x79x128xi32, #tpu.memory_space<hbm>>, %arg4: memref<2x16x79x128xi32, #tpu.memory_space<hbm>>, %arg5: memref<640x32xf32, #tpu.memory_space<hbm>>, %arg6: memref<2x10240x32xf32, #tpu.memory_space<hbm>>, %arg7: memref<10240x32xf32, #tpu.memory_space<vmem_shared>>, %arg8: memref<79x128xi32, #tpu.memory_space<vmem>>, %arg9: memref<79x128xi32, #tpu.memory_space<vmem>>, %arg10: memref<128xi32, #tpu.memory_space<vmem>>, %arg11: memref<128x32xf32, #tpu.memory_space<vmem>>, %arg12: memref<640x32xf32, #tpu.memory_space<vmem>>, %arg13: memref<!tpu.dma_semaphore, #tpu.memory_space<semaphore_mem>>) attributes {dimension_semantics = [#tpu.dimension_semantics<core_parallel>, #tpu.dimension_semantics<subcore_parallel>], iteration_bounds = array<i64: 2, 16>, scalar_prefetch = 0 : i64, scratch_operands = 7 : i64, tpu.core_type = #tpu.core_type<sc_vector_subcore>, window_params = [{transform_indices = #map}, {transform_indices = #map1}, {transform_indices = #map1}, {transform_indices = #map}, {transform_indices = #map2}]} {
    %mul3A = arith.constant 640 : i32
    %mul3A_0 = arith.muli %arg1, %mul3A : i32
    "tpu.region"() ({
      %run_scoped3A = tpu.sem_alloc : memref<!tpu.dma_semaphore, #tpu.memory_space<semaphore_mem>>
      tpu.enqueue_dma source(%arg5 : memref<640x32xf32, #tpu.memory_space<hbm>>) target(%arg12 : memref<640x32xf32, #tpu.memory_space<vmem>>) target_semaphore(%run_scoped3A : memref<!tpu.dma_semaphore, #tpu.memory_space<semaphore_mem>>)
      tpu.wait_dma2 semaphore(%run_scoped3A : memref<!tpu.dma_semaphore, #tpu.memory_space<semaphore_mem>>) src(%arg5 : memref<640x32xf32, #tpu.memory_space<hbm>>) dst(%arg12 : memref<640x32xf32, #tpu.memory_space<vmem>>)
      tpu.yield
    }) : () -> ()
    "tpu.region"() ({
      %run_scoped3A = tpu.sem_alloc : memref<!tpu.dma_semaphore, #tpu.memory_space<semaphore_mem>>
      %dma_start3A = arith.constant 0 : i32
      %dma_start3A_7 = tpu.memref_slice %arg7[%mul3A_0, %dma_start3A] : memref<10240x32xf32, #tpu.memory_space<vmem_shared>> -> memref<640x32xf32, #tpu.memory_space<vmem_shared>>
      %dma_start3A_8 = arith.constant 0 : i32
      %dma_start3A_9 = tpu.memref_slice %arg7[%mul3A_0, %dma_start3A_8] : memref<10240x32xf32, #tpu.memory_space<vmem_shared>> -> memref<640x32xf32, #tpu.memory_space<vmem_shared>>
      tpu.enqueue_dma source(%arg12 : memref<640x32xf32, #tpu.memory_space<vmem>>) target(%dma_start3A_9 : memref<640x32xf32, #tpu.memory_space<vmem_shared>>) target_semaphore(%run_scoped3A : memref<!tpu.dma_semaphore, #tpu.memory_space<semaphore_mem>>)
      %dma_wait3A = arith.constant 0 : i32
      %dma_wait3A_10 = tpu.memref_slice %arg7[%mul3A_0, %dma_wait3A] : memref<10240x32xf32, #tpu.memory_space<vmem_shared>> -> memref<640x32xf32, #tpu.memory_space<vmem_shared>>
      %dma_wait3A_11 = arith.constant 0 : i32
      %dma_wait3A_12 = tpu.memref_slice %arg7[%mul3A_0, %dma_wait3A_11] : memref<10240x32xf32, #tpu.memory_space<vmem_shared>> -> memref<640x32xf32, #tpu.memory_space<vmem_shared>>
      tpu.wait_dma2 semaphore(%run_scoped3A : memref<!tpu.dma_semaphore, #tpu.memory_space<semaphore_mem>>) src(%arg12 : memref<640x32xf32, #tpu.memory_space<vmem>>) dst(%dma_wait3A_12 : memref<640x32xf32, #tpu.memory_space<vmem_shared>>)
      tpu.yield
    }) : () -> ()
    "tpu.region"() ({
      %run_scoped3A = tpu.sem_alloc : memref<!tpu.dma_semaphore, #tpu.memory_space<semaphore_mem>>
      %dma_start3A = arith.constant 0 : i32
      %dma_start3A_7 = arith.constant 0 : i32
      %dma_start3A_8 = tpu.memref_slice %arg3[%arg0, %arg1, %dma_start3A, %dma_start3A_7] : memref<2x16x79x128xi32, #tpu.memory_space<hbm>> -> memref<1x1x79x128xi32, #tpu.memory_space<hbm>>
      %dma_start3A_9 = tpu.memref_squeeze %dma_start3A_8 : memref<1x1x79x128xi32, #tpu.memory_space<hbm>> -> memref<79x128xi32, #tpu.memory_space<hbm>>
      %dma_start3A_10 = arith.constant 0 : i32
      %dma_start3A_11 = arith.constant 0 : i32
      %dma_start3A_12 = tpu.memref_slice %arg3[%arg0, %arg1, %dma_start3A_10, %dma_start3A_11] : memref<2x16x79x128xi32, #tpu.memory_space<hbm>> -> memref<1x1x79x128xi32, #tpu.memory_space<hbm>>
      %dma_start3A_13 = tpu.memref_squeeze %dma_start3A_12 : memref<1x1x79x128xi32, #tpu.memory_space<hbm>> -> memref<79x128xi32, #tpu.memory_space<hbm>>
      tpu.enqueue_dma source(%dma_start3A_13 : memref<79x128xi32, #tpu.memory_space<hbm>>) target(%arg8 : memref<79x128xi32, #tpu.memory_space<vmem>>) target_semaphore(%run_scoped3A : memref<!tpu.dma_semaphore, #tpu.memory_space<semaphore_mem>>)
      %dma_wait3A = arith.constant 0 : i32
      %dma_wait3A_14 = arith.constant 0 : i32
      %dma_wait3A_15 = tpu.memref_slice %arg3[%arg0, %arg1, %dma_wait3A, %dma_wait3A_14] : memref<2x16x79x128xi32, #tpu.memory_space<hbm>> -> memref<1x1x79x128xi32, #tpu.memory_space<hbm>>
      %dma_wait3A_16 = tpu.memref_squeeze %dma_wait3A_15 : memref<1x1x79x128xi32, #tpu.memory_space<hbm>> -> memref<79x128xi32, #tpu.memory_space<hbm>>
      %dma_wait3A_17 = arith.constant 0 : i32
      %dma_wait3A_18 = arith.constant 0 : i32
      %dma_wait3A_19 = tpu.memref_slice %arg3[%arg0, %arg1, %dma_wait3A_17, %dma_wait3A_18] : memref<2x16x79x128xi32, #tpu.memory_space<hbm>> -> memref<1x1x79x128xi32, #tpu.memory_space<hbm>>
      %dma_wait3A_20 = tpu.memref_squeeze %dma_wait3A_19 : memref<1x1x79x128xi32, #tpu.memory_space<hbm>> -> memref<79x128xi32, #tpu.memory_space<hbm>>
      tpu.wait_dma2 semaphore(%run_scoped3A : memref<!tpu.dma_semaphore, #tpu.memory_space<semaphore_mem>>) src(%dma_wait3A_20 : memref<79x128xi32, #tpu.memory_space<hbm>>) dst(%arg8 : memref<79x128xi32, #tpu.memory_space<vmem>>)
      tpu.yield
    }) : () -> ()
    "tpu.region"() ({
      %run_scoped3A = tpu.sem_alloc : memref<!tpu.dma_semaphore, #tpu.memory_space<semaphore_mem>>
      %dma_start3A = arith.constant 0 : i32
      %dma_start3A_7 = arith.constant 0 : i32
      %dma_start3A_8 = tpu.memref_slice %arg4[%arg0, %arg1, %dma_start3A, %dma_start3A_7] : memref<2x16x79x128xi32, #tpu.memory_space<hbm>> -> memref<1x1x79x128xi32, #tpu.memory_space<hbm>>
      %dma_start3A_9 = tpu.memref_squeeze %dma_start3A_8 : memref<1x1x79x128xi32, #tpu.memory_space<hbm>> -> memref<79x128xi32, #tpu.memory_space<hbm>>
      %dma_start3A_10 = arith.constant 0 : i32
      %dma_start3A_11 = arith.constant 0 : i32
      %dma_start3A_12 = tpu.memref_slice %arg4[%arg0, %arg1, %dma_start3A_10, %dma_start3A_11] : memref<2x16x79x128xi32, #tpu.memory_space<hbm>> -> memref<1x1x79x128xi32, #tpu.memory_space<hbm>>
      %dma_start3A_13 = tpu.memref_squeeze %dma_start3A_12 : memref<1x1x79x128xi32, #tpu.memory_space<hbm>> -> memref<79x128xi32, #tpu.memory_space<hbm>>
      tpu.enqueue_dma source(%dma_start3A_13 : memref<79x128xi32, #tpu.memory_space<hbm>>) target(%arg9 : memref<79x128xi32, #tpu.memory_space<vmem>>) target_semaphore(%run_scoped3A : memref<!tpu.dma_semaphore, #tpu.memory_space<semaphore_mem>>)
      %dma_wait3A = arith.constant 0 : i32
      %dma_wait3A_14 = arith.constant 0 : i32
      %dma_wait3A_15 = tpu.memref_slice %arg4[%arg0, %arg1, %dma_wait3A, %dma_wait3A_14] : memref<2x16x79x128xi32, #tpu.memory_space<hbm>> -> memref<1x1x79x128xi32, #tpu.memory_space<hbm>>
      %dma_wait3A_16 = tpu.memref_squeeze %dma_wait3A_15 : memref<1x1x79x128xi32, #tpu.memory_space<hbm>> -> memref<79x128xi32, #tpu.memory_space<hbm>>
      %dma_wait3A_17 = arith.constant 0 : i32
      %dma_wait3A_18 = arith.constant 0 : i32
      %dma_wait3A_19 = tpu.memref_slice %arg4[%arg0, %arg1, %dma_wait3A_17, %dma_wait3A_18] : memref<2x16x79x128xi32, #tpu.memory_space<hbm>> -> memref<1x1x79x128xi32, #tpu.memory_space<hbm>>
      %dma_wait3A_20 = tpu.memref_squeeze %dma_wait3A_19 : memref<1x1x79x128xi32, #tpu.memory_space<hbm>> -> memref<79x128xi32, #tpu.memory_space<hbm>>
      tpu.wait_dma2 semaphore(%run_scoped3A : memref<!tpu.dma_semaphore, #tpu.memory_space<semaphore_mem>>) src(%dma_wait3A_20 : memref<79x128xi32, #tpu.memory_space<hbm>>) dst(%arg9 : memref<79x128xi32, #tpu.memory_space<vmem>>)
      tpu.yield
    }) : () -> ()
    %barrier3A = arith.constant 0 : index
    tpu.barrier barrier_id(%barrier3A)
    %scan3A = arith.constant 0 : i32
    %scan3A_1 = arith.constant 0 : i32
    %scan3A_2 = arith.constant 79 : i32
    %scan3A_3 = arith.addi %scan3A_1, %scan3A_2 : i32
    %scan3A_4 = arith.constant 1 : i32
    scf.for %scan3A_7 = %scan3A_1 to %scan3A_3 step %scan3A_4  : i32 {
      %get3A = arith.index_cast %scan3A_7 : i32 to index
      %get3A_8 = arith.constant 0 : index
      %get3A_9 = tpu.vector_load %arg8[%get3A, %get3A_8] {strides = array<i32>} : memref<79x128xi32, #tpu.memory_space<vmem>>, vector<1x16xi32>,
      %get3A_10 = vector.shape_cast %get3A_9 : vector<1x16xi32> to vector<16xi32>
      %get3A_11 = arith.index_cast %scan3A_7 : i32 to index
      %get3A_12 = arith.constant 0 : index
      %get3A_13 = tpu.vector_load %arg9[%get3A_11, %get3A_12] {strides = array<i32>} : memref<79x128xi32, #tpu.memory_space<vmem>>, vector<1x16xi32>,
      %get3A_14 = vector.shape_cast %get3A_13 : vector<1x16xi32> to vector<16xi32>
      %iota3A = tpu.iota {dimensions = array<i32: 0>} : vector<16xi32>
      %add3A = arith.constant 10000 : i32
      %add3A_15 = vector.broadcast %add3A : i32 to vector<16xi32>
      %add3A_16 = arith.addi %add3A_15, %iota3A : vector<16xi32>
      %eq3A = arith.cmpi eq, %get3A_10, %get3A_14 : vector<16xi32>
      %select_n3A = arith.select %eq3A, %add3A_16, %get3A_14 : vector<16xi1>, vector<16xi32>
      %swap3A = arith.constant 0 : index
      %swap3A_17 = tpu.vector_load %arg10[%swap3A] {strides = array<i32>} : memref<128xi32, #tpu.memory_space<vmem>>, vector<16xi32>,
      %swap3A_18 = vector.shape_cast %swap3A_17 : vector<16xi32> to vector<16xi32>
      %swap3A_19 = vector.shape_cast %select_n3A : vector<16xi32> to vector<16xi32>
      tpu.vector_store %arg10[%swap3A], %swap3A_19 {strides = array<i32>} : memref<128xi32, #tpu.memory_space<vmem>>, vector<16xi32>,
      %get3A_20 = arith.index_cast %scan3A_7 : i32 to index
      %get3A_21 = arith.constant 16 : index
      %get3A_22 = tpu.vector_load %arg8[%get3A_20, %get3A_21] {strides = array<i32>} : memref<79x128xi32, #tpu.memory_space<vmem>>, vector<1x16xi32>,
      %get3A_23 = vector.shape_cast %get3A_22 : vector<1x16xi32> to vector<16xi32>
      %get3A_24 = arith.index_cast %scan3A_7 : i32 to index
      %get3A_25 = arith.constant 16 : index
      %get3A_26 = tpu.vector_load %arg9[%get3A_24, %get3A_25] {strides = array<i32>} : memref<79x128xi32, #tpu.memory_space<vmem>>, vector<1x16xi32>,
      %get3A_27 = vector.shape_cast %get3A_26 : vector<1x16xi32> to vector<16xi32>
      %iota3A_28 = tpu.iota {dimensions = array<i32: 0>} : vector<16xi32>
      %add3A_29 = arith.constant 10016 : i32
      %add3A_30 = vector.broadcast %add3A_29 : i32 to vector<16xi32>
      %add3A_31 = arith.addi %add3A_30, %iota3A_28 : vector<16xi32>
      %eq3A_32 = arith.cmpi eq, %get3A_23, %get3A_27 : vector<16xi32>
      %select_n3A_33 = arith.select %eq3A_32, %add3A_31, %get3A_27 : vector<16xi1>, vector<16xi32>
      %swap3A_34 = arith.constant 16 : index
      %swap3A_35 = tpu.vector_load %arg10[%swap3A_34] {strides = array<i32>} : memref<128xi32, #tpu.memory_space<vmem>>, vector<16xi32>,
      %swap3A_36 = vector.shape_cast %swap3A_35 : vector<16xi32> to vector<16xi32>
      %swap3A_37 = vector.shape_cast %select_n3A_33 : vector<16xi32> to vector<16xi32>
      tpu.vector_store %arg10[%swap3A_34], %swap3A_37 {strides = array<i32>} : memref<128xi32, #tpu.memory_space<vmem>>, vector<16xi32>,
      %get3A_38 = arith.index_cast %scan3A_7 : i32 to index
      %get3A_39 = arith.constant 32 : index
      %get3A_40 = tpu.vector_load %arg8[%get3A_38, %get3A_39] {strides = array<i32>} : memref<79x128xi32, #tpu.memory_space<vmem>>, vector<1x16xi32>,
      %get3A_41 = vector.shape_cast %get3A_40 : vector<1x16xi32> to vector<16xi32>
      %get3A_42 = arith.index_cast %scan3A_7 : i32 to index
      %get3A_43 = arith.constant 32 : index
      %get3A_44 = tpu.vector_load %arg9[%get3A_42, %get3A_43] {strides = array<i32>} : memref<79x128xi32, #tpu.memory_space<vmem>>, vector<1x16xi32>,
      %get3A_45 = vector.shape_cast %get3A_44 : vector<1x16xi32> to vector<16xi32>
      %iota3A_46 = tpu.iota {dimensions = array<i32: 0>} : vector<16xi32>
      %add3A_47 = arith.constant 10032 : i32
      %add3A_48 = vector.broadcast %add3A_47 : i32 to vector<16xi32>
      %add3A_49 = arith.addi %add3A_48, %iota3A_46 : vector<16xi32>
      %eq3A_50 = arith.cmpi eq, %get3A_41, %get3A_45 : vector<16xi32>
      %select_n3A_51 = arith.select %eq3A_50, %add3A_49, %get3A_45 : vector<16xi1>, vector<16xi32>
      %swap3A_52 = arith.constant 32 : index
      %swap3A_53 = tpu.vector_load %arg10[%swap3A_52] {strides = array<i32>} : memref<128xi32, #tpu.memory_space<vmem>>, vector<16xi32>,
      %swap3A_54 = vector.shape_cast %swap3A_53 : vector<16xi32> to vector<16xi32>
      %swap3A_55 = vector.shape_cast %select_n3A_51 : vector<16xi32> to vector<16xi32>
      tpu.vector_store %arg10[%swap3A_52], %swap3A_55 {strides = array<i32>} : memref<128xi32, #tpu.memory_space<vmem>>, vector<16xi32>,
      %get3A_56 = arith.index_cast %scan3A_7 : i32 to index
      %get3A_57 = arith.constant 48 : index
      %get3A_58 = tpu.vector_load %arg8[%get3A_56, %get3A_57] {strides = array<i32>} : memref<79x128xi32, #tpu.memory_space<vmem>>, vector<1x16xi32>,
      %get3A_59 = vector.shape_cast %get3A_58 : vector<1x16xi32> to vector<16xi32>
      %get3A_60 = arith.index_cast %scan3A_7 : i32 to index
      %get3A_61 = arith.constant 48 : index
      %get3A_62 = tpu.vector_load %arg9[%get3A_60, %get3A_61] {strides = array<i32>} : memref<79x128xi32, #tpu.memory_space<vmem>>, vector<1x16xi32>,
      %get3A_63 = vector.shape_cast %get3A_62 : vector<1x16xi32> to vector<16xi32>
      %iota3A_64 = tpu.iota {dimensions = array<i32: 0>} : vector<16xi32>
      %add3A_65 = arith.constant 10048 : i32
      %add3A_66 = vector.broadcast %add3A_65 : i32 to vector<16xi32>
      %add3A_67 = arith.addi %add3A_66, %iota3A_64 : vector<16xi32>
      %eq3A_68 = arith.cmpi eq, %get3A_59, %get3A_63 : vector<16xi32>
      %select_n3A_69 = arith.select %eq3A_68, %add3A_67, %get3A_63 : vector<16xi1>, vector<16xi32>
      %swap3A_70 = arith.constant 48 : index
      %swap3A_71 = tpu.vector_load %arg10[%swap3A_70] {strides = array<i32>} : memref<128xi32, #tpu.memory_space<vmem>>, vector<16xi32>,
      %swap3A_72 = vector.shape_cast %swap3A_71 : vector<16xi32> to vector<16xi32>
      %swap3A_73 = vector.shape_cast %select_n3A_69 : vector<16xi32> to vector<16xi32>
      tpu.vector_store %arg10[%swap3A_70], %swap3A_73 {strides = array<i32>} : memref<128xi32, #tpu.memory_space<vmem>>, vector<16xi32>,
      %get3A_74 = arith.index_cast %scan3A_7 : i32 to index
      %get3A_75 = arith.constant 64 : index
      %get3A_76 = tpu.vector_load %arg8[%get3A_74, %get3A_75] {strides = array<i32>} : memref<79x128xi32, #tpu.memory_space<vmem>>, vector<1x16xi32>,
      %get3A_77 = vector.shape_cast %get3A_76 : vector<1x16xi32> to vector<16xi32>
      %get3A_78 = arith.index_cast %scan3A_7 : i32 to index
      %get3A_79 = arith.constant 64 : index
      %get3A_80 = tpu.vector_load %arg9[%get3A_78, %get3A_79] {strides = array<i32>} : memref<79x128xi32, #tpu.memory_space<vmem>>, vector<1x16xi32>,
      %get3A_81 = vector.shape_cast %get3A_80 : vector<1x16xi32> to vector<16xi32>
      %iota3A_82 = tpu.iota {dimensions = array<i32: 0>} : vector<16xi32>
      %add3A_83 = arith.constant 10064 : i32
      %add3A_84 = vector.broadcast %add3A_83 : i32 to vector<16xi32>
      %add3A_85 = arith.addi %add3A_84, %iota3A_82 : vector<16xi32>
      %eq3A_86 = arith.cmpi eq, %get3A_77, %get3A_81 : vector<16xi32>
      %select_n3A_87 = arith.select %eq3A_86, %add3A_85, %get3A_81 : vector<16xi1>, vector<16xi32>
      %swap3A_88 = arith.constant 64 : index
      %swap3A_89 = tpu.vector_load %arg10[%swap3A_88] {strides = array<i32>} : memref<128xi32, #tpu.memory_space<vmem>>, vector<16xi32>,
      %swap3A_90 = vector.shape_cast %swap3A_89 : vector<16xi32> to vector<16xi32>
      %swap3A_91 = vector.shape_cast %select_n3A_87 : vector<16xi32> to vector<16xi32>
      tpu.vector_store %arg10[%swap3A_88], %swap3A_91 {strides = array<i32>} : memref<128xi32, #tpu.memory_space<vmem>>, vector<16xi32>,
      %get3A_92 = arith.index_cast %scan3A_7 : i32 to index
      %get3A_93 = arith.constant 80 : index
      %get3A_94 = tpu.vector_load %arg8[%get3A_92, %get3A_93] {strides = array<i32>} : memref<79x128xi32, #tpu.memory_space<vmem>>, vector<1x16xi32>,
      %get3A_95 = vector.shape_cast %get3A_94 : vector<1x16xi32> to vector<16xi32>
      %get3A_96 = arith.index_cast %scan3A_7 : i32 to index
      %get3A_97 = arith.constant 80 : index
      %get3A_98 = tpu.vector_load %arg9[%get3A_96, %get3A_97] {strides = array<i32>} : memref<79x128xi32, #tpu.memory_space<vmem>>, vector<1x16xi32>,
      %get3A_99 = vector.shape_cast %get3A_98 : vector<1x16xi32> to vector<16xi32>
      %iota3A_100 = tpu.iota {dimensions = array<i32: 0>} : vector<16xi32>
      %add3A_101 = arith.constant 10080 : i32
      %add3A_102 = vector.broadcast %add3A_101 : i32 to vector<16xi32>
      %add3A_103 = arith.addi %add3A_102, %iota3A_100 : vector<16xi32>
      %eq3A_104 = arith.cmpi eq, %get3A_95, %get3A_99 : vector<16xi32>
      %select_n3A_105 = arith.select %eq3A_104, %add3A_103, %get3A_99 : vector<16xi1>, vector<16xi32>
      %swap3A_106 = arith.constant 80 : index
      %swap3A_107 = tpu.vector_load %arg10[%swap3A_106] {strides = array<i32>} : memref<128xi32, #tpu.memory_space<vmem>>, vector<16xi32>,
      %swap3A_108 = vector.shape_cast %swap3A_107 : vector<16xi32> to vector<16xi32>
      %swap3A_109 = vector.shape_cast %select_n3A_105 : vector<16xi32> to vector<16xi32>
      tpu.vector_store %arg10[%swap3A_106], %swap3A_109 {strides = array<i32>} : memref<128xi32, #tpu.memory_space<vmem>>, vector<16xi32>,
      %get3A_110 = arith.index_cast %scan3A_7 : i32 to index
      %get3A_111 = arith.constant 96 : index
      %get3A_112 = tpu.vector_load %arg8[%get3A_110, %get3A_111] {strides = array<i32>} : memref<79x128xi32, #tpu.memory_space<vmem>>, vector<1x16xi32>,
      %get3A_113 = vector.shape_cast %get3A_112 : vector<1x16xi32> to vector<16xi32>
      %get3A_114 = arith.index_cast %scan3A_7 : i32 to index
      %get3A_115 = arith.constant 96 : index
      %get3A_116 = tpu.vector_load %arg9[%get3A_114, %get3A_115] {strides = array<i32>} : memref<79x128xi32, #tpu.memory_space<vmem>>, vector<1x16xi32>,
      %get3A_117 = vector.shape_cast %get3A_116 : vector<1x16xi32> to vector<16xi32>
      %iota3A_118 = tpu.iota {dimensions = array<i32: 0>} : vector<16xi32>
      %add3A_119 = arith.constant 10096 : i32
      %add3A_120 = vector.broadcast %add3A_119 : i32 to vector<16xi32>
      %add3A_121 = arith.addi %add3A_120, %iota3A_118 : vector<16xi32>
      %eq3A_122 = arith.cmpi eq, %get3A_113, %get3A_117 : vector<16xi32>
      %select_n3A_123 = arith.select %eq3A_122, %add3A_121, %get3A_117 : vector<16xi1>, vector<16xi32>
      %swap3A_124 = arith.constant 96 : index
      %swap3A_125 = tpu.vector_load %arg10[%swap3A_124] {strides = array<i32>} : memref<128xi32, #tpu.memory_space<vmem>>, vector<16xi32>,
      %swap3A_126 = vector.shape_cast %swap3A_125 : vector<16xi32> to vector<16xi32>
      %swap3A_127 = vector.shape_cast %select_n3A_123 : vector<16xi32> to vector<16xi32>
      tpu.vector_store %arg10[%swap3A_124], %swap3A_127 {strides = array<i32>} : memref<128xi32, #tpu.memory_space<vmem>>, vector<16xi32>,
      %get3A_128 = arith.index_cast %scan3A_7 : i32 to index
      %get3A_129 = arith.constant 112 : index
      %get3A_130 = tpu.vector_load %arg8[%get3A_128, %get3A_129] {strides = array<i32>} : memref<79x128xi32, #tpu.memory_space<vmem>>, vector<1x16xi32>,
      %get3A_131 = vector.shape_cast %get3A_130 : vector<1x16xi32> to vector<16xi32>
      %get3A_132 = arith.index_cast %scan3A_7 : i32 to index
      %get3A_133 = arith.constant 112 : index
      %get3A_134 = tpu.vector_load %arg9[%get3A_132, %get3A_133] {strides = array<i32>} : memref<79x128xi32, #tpu.memory_space<vmem>>, vector<1x16xi32>,
      %get3A_135 = vector.shape_cast %get3A_134 : vector<1x16xi32> to vector<16xi32>
      %iota3A_136 = tpu.iota {dimensions = array<i32: 0>} : vector<16xi32>
      %add3A_137 = arith.constant 10112 : i32
      %add3A_138 = vector.broadcast %add3A_137 : i32 to vector<16xi32>
      %add3A_139 = arith.addi %add3A_138, %iota3A_136 : vector<16xi32>
      %eq3A_140 = arith.cmpi eq, %get3A_131, %get3A_135 : vector<16xi32>
      %select_n3A_141 = arith.select %eq3A_140, %add3A_139, %get3A_135 : vector<16xi1>, vector<16xi32>
      %swap3A_142 = arith.constant 112 : index
      %swap3A_143 = tpu.vector_load %arg10[%swap3A_142] {strides = array<i32>} : memref<128xi32, #tpu.memory_space<vmem>>, vector<16xi32>,
      %swap3A_144 = vector.shape_cast %swap3A_143 : vector<16xi32> to vector<16xi32>
      %swap3A_145 = vector.shape_cast %select_n3A_141 : vector<16xi32> to vector<16xi32>
      tpu.vector_store %arg10[%swap3A_142], %swap3A_145 {strides = array<i32>} : memref<128xi32, #tpu.memory_space<vmem>>, vector<16xi32>,
      %dma_start3A = arith.constant 0 : i32
      %dma_start3A_146 = tpu.memref_slice %arg8[%scan3A_7, %dma_start3A] : memref<79x128xi32, #tpu.memory_space<vmem>> -> memref<1x128xi32, #tpu.memory_space<vmem>>
      %dma_start3A_147 = tpu.memref_squeeze %dma_start3A_146 : memref<1x128xi32, #tpu.memory_space<vmem>> -> memref<128xi32, #tpu.memory_space<vmem>>
      %dma_start3A_148 = arith.constant 0 : i32
      %dma_start3A_149 = arith.constant 0 : i32
      %dma_start3A_150 = tpu.memref_slice %arg2[%dma_start3A_148, %dma_start3A_149] : memref<10000x32xf32, #tpu.memory_space<hbm>> -> memref<10000x32xf32, #tpu.memory_space<hbm>>
      tpu.enqueue_indirect_dma source(%dma_start3A_150 : memref<10000x32xf32, #tpu.memory_space<hbm>>) target(%arg11 : memref<128x32xf32, #tpu.memory_space<vmem>>) offsets(%dma_start3A_147 : memref<128xi32, #tpu.memory_space<vmem>>) semaphore(%arg13 : memref<!tpu.dma_semaphore, #tpu.memory_space<semaphore_mem>>)
      %dma_wait3A = arith.constant 0 : i32
      %dma_wait3A_151 = tpu.memref_slice %arg8[%scan3A_7, %dma_wait3A] : memref<79x128xi32, #tpu.memory_space<vmem>> -> memref<1x128xi32, #tpu.memory_space<vmem>>
      %dma_wait3A_152 = tpu.memref_squeeze %dma_wait3A_151 : memref<1x128xi32, #tpu.memory_space<vmem>> -> memref<128xi32, #tpu.memory_space<vmem>>
      %dma_wait3A_153 = arith.constant 0 : i32
      %dma_wait3A_154 = arith.constant 0 : i32
      %dma_wait3A_155 = tpu.memref_slice %arg2[%dma_wait3A_153, %dma_wait3A_154] : memref<10000x32xf32, #tpu.memory_space<hbm>> -> memref<10000x32xf32, #tpu.memory_space<hbm>>
      tpu.wait_indirect_dma semaphore(%arg13 : memref<!tpu.dma_semaphore, #tpu.memory_space<semaphore_mem>>) src(%dma_wait3A_155 : memref<10000x32xf32, #tpu.memory_space<hbm>>) dst(%arg11 : memref<128x32xf32, #tpu.memory_space<vmem>>)
      "tpu.region"() ({
        %run_scoped3A = tpu.sem_alloc : memref<!tpu.dma_semaphore, #tpu.memory_space<semaphore_mem>>
        %dma_start3A_156 = arith.constant 0 : i32
        %dma_start3A_157 = arith.constant 0 : i32
        %dma_start3A_158 = tpu.memref_slice %arg7[%dma_start3A_156, %dma_start3A_157] : memref<10240x32xf32, #tpu.memory_space<vmem_shared>> -> memref<10240x32xf32, #tpu.memory_space<vmem_shared>>
        tpu.enqueue_indirect_dma source(%arg11 : memref<128x32xf32, #tpu.memory_space<vmem>>) target(%dma_start3A_158 : memref<10240x32xf32, #tpu.memory_space<vmem_shared>>) offsets(%arg10 : memref<128xi32, #tpu.memory_space<vmem>>) semaphore(%run_scoped3A : memref<!tpu.dma_semaphore, #tpu.memory_space<semaphore_mem>>) {add = true}
        %dma_wait3A_159 = arith.constant 0 : i32
        %dma_wait3A_160 = arith.constant 0 : i32
        %dma_wait3A_161 = tpu.memref_slice %arg7[%dma_wait3A_159, %dma_wait3A_160] : memref<10240x32xf32, #tpu.memory_space<vmem_shared>> -> memref<10240x32xf32, #tpu.memory_space<vmem_shared>>
        tpu.wait_indirect_dma semaphore(%run_scoped3A : memref<!tpu.dma_semaphore, #tpu.memory_space<semaphore_mem>>) src(%arg11 : memref<128x32xf32, #tpu.memory_space<vmem>>) dst(%dma_wait3A_161 : memref<10240x32xf32, #tpu.memory_space<vmem_shared>>)
        tpu.yield
      }) : () -> ()
    }
    %scan3A_5 = arith.constant 79 : i32
    %barrier3A_6 = arith.constant 0 : index
    tpu.barrier barrier_id(%barrier3A_6)
    "tpu.region"() ({
      %run_scoped3A = tpu.sem_alloc : memref<!tpu.dma_semaphore, #tpu.memory_space<semaphore_mem>>
      %dma_start3A = arith.constant 0 : i32
      %dma_start3A_7 = tpu.memref_slice %arg6[%arg0, %mul3A_0, %dma_start3A] : memref<2x10240x32xf32, #tpu.memory_space<hbm>> -> memref<1x640x32xf32, #tpu.memory_space<hbm>>
      %dma_start3A_8 = tpu.memref_squeeze %dma_start3A_7 : memref<1x640x32xf32, #tpu.memory_space<hbm>> -> memref<640x32xf32, #tpu.memory_space<hbm>>
      %dma_start3A_9 = arith.constant 0 : i32
      %dma_start3A_10 = tpu.memref_slice %arg7[%mul3A_0, %dma_start3A_9] : memref<10240x32xf32, #tpu.memory_space<vmem_shared>> -> memref<640x32xf32, #tpu.memory_space<vmem_shared>>
      tpu.enqueue_dma source(%dma_start3A_10 : memref<640x32xf32, #tpu.memory_space<vmem_shared>>) target(%dma_start3A_8 : memref<640x32xf32, #tpu.memory_space<hbm>>) target_semaphore(%run_scoped3A : memref<!tpu.dma_semaphore, #tpu.memory_space<semaphore_mem>>)
      %dma_wait3A = arith.constant 0 : i32
      %dma_wait3A_11 = tpu.memref_slice %arg6[%arg0, %mul3A_0, %dma_wait3A] : memref<2x10240x32xf32, #tpu.memory_space<hbm>> -> memref<1x640x32xf32, #tpu.memory_space<hbm>>
      %dma_wait3A_12 = tpu.memref_squeeze %dma_wait3A_11 : memref<1x640x32xf32, #tpu.memory_space<hbm>> -> memref<640x32xf32, #tpu.memory_space<hbm>>
      %dma_wait3A_13 = arith.constant 0 : i32
      %dma_wait3A_14 = tpu.memref_slice %arg7[%mul3A_0, %dma_wait3A_13] : memref<10240x32xf32, #tpu.memory_space<vmem_shared>> -> memref<640x32xf32, #tpu.memory_space<vmem_shared>>
      tpu.wait_dma2 semaphore(%run_scoped3A : memref<!tpu.dma_semaphore, #tpu.memory_space<semaphore_mem>>) src(%dma_wait3A_14 : memref<640x32xf32, #tpu.memory_space<vmem_shared>>) dst(%dma_wait3A_12 : memref<640x32xf32, #tpu.memory_space<hbm>>)
      tpu.yield
    }) : () -> ()
    return
  }
}

module attributes {stable_mosaic.version = 14 : i64} {
  func.func @_dense_lin_body(%arg0: i32, %arg1: memref<2000x128xf32, #tpu.memory_space<vmem>>, %arg2: memref<128x16xf32, #tpu.memory_space<vmem>>, %arg3: memref<1x16xf32, #tpu.memory_space<vmem>>, %arg4: memref<2000x16xf32, #tpu.memory_space<vmem>>) attributes {dimension_semantics = [#tpu.dimension_semantics<arbitrary>], iteration_bounds = array<i64: 5>, scalar_prefetch = 0 : i64, scratch_operands = 0 : i64, tpu.core_type = #tpu.core_type<tc>, window_params = [{transform_indices = @transform_0, window_bounds = array<i64: 2000, 128>}, {pipeline_mode = #tpu.pipeline_mode<synchronous>, transform_indices = @transform_1, window_bounds = array<i64: 128, 16>}, {pipeline_mode = #tpu.pipeline_mode<synchronous>, transform_indices = @transform_2, window_bounds = array<i64: 1, 16>}, {transform_indices = @transform_3, window_bounds = array<i64: 2000, 16>}]} {
    %get3A = arith.constant 0 : index
    %get3A_0 = arith.constant 0 : index
    %get3A_1 = vector.load %arg1[%get3A, %get3A_0] : memref<2000x128xf32, #tpu.memory_space<vmem>>, vector<2000x128xf32>
    %get3A_2 = arith.constant 0 : index
    %get3A_3 = arith.constant 0 : index
    %get3A_4 = vector.load %arg2[%get3A_2, %get3A_3] : memref<128x16xf32, #tpu.memory_space<vmem>>, vector<128x16xf32>
    %dot_general3A = arith.constant dense<0.000000e+00> : vector<2000x16xf32>
    %dot_general3A_5 = tpu.matmul %get3A_1, %get3A_4, %dot_general3A {dimension_numbers = #tpu.dot_dimension_numbers<[1], [0], [0], [1], [0, 0, 1, 1], [], []>, transpose_lhs_hint = false} : vector<2000x128xf32>, vector<128x16xf32>, vector<2000x16xf32> -> vector<2000x16xf32>
    %get3A_6 = arith.constant 0 : index
    %get3A_7 = arith.constant 0 : index
    %get3A_8 = vector.load %arg3[%get3A_6, %get3A_7] : memref<1x16xf32, #tpu.memory_space<vmem>>, vector<1x16xf32>
    %add3A = vector.broadcast %get3A_8 : vector<1x16xf32> to vector<2000x16xf32>
    %add3A_9 = arith.addf %dot_general3A_5, %add3A : vector<2000x16xf32>
    %swap3A = arith.constant 0 : index
    %swap3A_10 = arith.constant 0 : index
    %swap3A_11 = vector.load %arg4[%swap3A, %swap3A_10] : memref<2000x16xf32, #tpu.memory_space<vmem>>, vector<2000x16xf32>
    tpu.vector_store %arg4[%swap3A, %swap3A_10], %add3A_9 {strides = array<i32>} : memref<2000x16xf32, #tpu.memory_space<vmem>>, vector<2000x16xf32>,
    return
  }
  func.func @transform_0(%arg0: i32) -> (i32, i32) {
    %c0_i32 = arith.constant 0 : i32
    %c0_i32_0 = arith.constant 0 : i32
    return %arg0, %c0_i32 : i32, i32
  }
  func.func @transform_1(%arg0: i32) -> (i32, i32) {
    %c0_i32 = arith.constant 0 : i32
    %c0_i32_0 = arith.constant 0 : i32
    %c0_i32_1 = arith.constant 0 : i32
    return %c0_i32, %c0_i32_0 : i32, i32
  }
  func.func @transform_2(%arg0: i32) -> (i32, i32) {
    %c0_i32 = arith.constant 0 : i32
    %c0_i32_0 = arith.constant 0 : i32
    %c0_i32_1 = arith.constant 0 : i32
    return %c0_i32, %c0_i32_0 : i32, i32
  }
  func.func @transform_3(%arg0: i32) -> (i32, i32) {
    %c0_i32 = arith.constant 0 : i32
    %c0_i32_0 = arith.constant 0 : i32
    return %arg0, %c0_i32 : i32, i32
  }
}

module attributes {stable_mosaic.version = 14 : i64} {
  func.func @_combine1_body(%arg0: i32, %arg1: memref<2000x32xf32, #tpu.memory_space<vmem>>, %arg2: memref<2000x32xf32, #tpu.memory_space<vmem>>, %arg3: memref<2000x16xf32, #tpu.memory_space<vmem>>, %arg4: memref<1x16xf32, #tpu.memory_space<vmem>>, %arg5: memref<2000x16xf32, #tpu.memory_space<vmem>>, %arg6: memref<2000x1xf32, #tpu.memory_space<vmem>>) attributes {dimension_semantics = [#tpu.dimension_semantics<arbitrary>], iteration_bounds = array<i64: 5>, scalar_prefetch = 0 : i64, scratch_operands = 0 : i64, tpu.core_type = #tpu.core_type<tc>, window_params = [{transform_indices = @transform_0, window_bounds = array<i64: 2000, 32>}, {transform_indices = @transform_1, window_bounds = array<i64: 2000, 32>}, {transform_indices = @transform_2, window_bounds = array<i64: 2000, 16>}, {pipeline_mode = #tpu.pipeline_mode<synchronous>, transform_indices = @transform_3, window_bounds = array<i64: 1, 16>}, {transform_indices = @transform_4, window_bounds = array<i64: 2000, 16>}, {transform_indices = @transform_5, window_bounds = array<i64: 2000, 1>}]} {
    %get3A = arith.constant 0 : index
    %get3A_0 = arith.constant 16 : index
    %get3A_1 = vector.load %arg1[%get3A, %get3A_0] : memref<2000x32xf32, #tpu.memory_space<vmem>>, vector<2000x1xf32>
    %get3A_2 = arith.constant 0 : index
    %get3A_3 = arith.constant 16 : index
    %get3A_4 = vector.load %arg2[%get3A_2, %get3A_3] : memref<2000x32xf32, #tpu.memory_space<vmem>>, vector<2000x1xf32>
    %add3A = arith.addf %get3A_1, %get3A_4 : vector<2000x1xf32>
    %get3A_5 = arith.constant 0 : index
    %get3A_6 = arith.constant 0 : index
    %get3A_7 = vector.load %arg1[%get3A_5, %get3A_6] : memref<2000x32xf32, #tpu.memory_space<vmem>>, vector<2000x16xf32>
    %get3A_8 = arith.constant 0 : index
    %get3A_9 = arith.constant 0 : index
    %get3A_10 = vector.load %arg2[%get3A_8, %get3A_9] : memref<2000x32xf32, #tpu.memory_space<vmem>>, vector<2000x16xf32>
    %add3A_11 = arith.addf %get3A_7, %get3A_10 : vector<2000x16xf32>
    %get3A_12 = arith.constant 0 : index
    %get3A_13 = arith.constant 0 : index
    %get3A_14 = vector.load %arg3[%get3A_12, %get3A_13] : memref<2000x16xf32, #tpu.memory_space<vmem>>, vector<2000x16xf32>
    %add3A_15 = arith.addf %add3A_11, %get3A_14 : vector<2000x16xf32>
    %add3A_16 = arith.constant 1.000000e+00 : f32
    %add3A_17 = vector.broadcast %add3A_16 : f32 to vector<2000x1xf32>
    %add3A_18 = arith.addf %add3A, %add3A_17 : vector<2000x1xf32>
    %div3A = vector.broadcast %add3A_18 : vector<2000x1xf32> to vector<2000x16xf32>
    %div3A_19 = arith.divf %add3A_15, %div3A : vector<2000x16xf32>
    %get3A_20 = arith.constant 0 : index
    %get3A_21 = arith.constant 0 : index
    %get3A_22 = vector.load %arg4[%get3A_20, %get3A_21] : memref<1x16xf32, #tpu.memory_space<vmem>>, vector<1x16xf32>
    %add3A_23 = vector.broadcast %get3A_22 : vector<1x16xf32> to vector<2000x16xf32>
    %add3A_24 = arith.addf %div3A_19, %add3A_23 : vector<2000x16xf32>
    %max3A = arith.constant 0.000000e+00 : f32
    %max3A_25 = vector.broadcast %max3A : f32 to vector<2000x16xf32>
    %max3A_26 = arith.maximumf %add3A_24, %max3A_25 : vector<2000x16xf32>
    %swap3A = arith.constant 0 : index
    %swap3A_27 = arith.constant 0 : index
    %swap3A_28 = vector.load %arg5[%swap3A, %swap3A_27] : memref<2000x16xf32, #tpu.memory_space<vmem>>, vector<2000x16xf32>
    tpu.vector_store %arg5[%swap3A, %swap3A_27], %max3A_26 {strides = array<i32>} : memref<2000x16xf32, #tpu.memory_space<vmem>>, vector<2000x16xf32>,
    %swap3A_29 = arith.constant 0 : index
    %swap3A_30 = arith.constant 0 : index
    %swap3A_31 = vector.load %arg6[%swap3A_29, %swap3A_30] : memref<2000x1xf32, #tpu.memory_space<vmem>>, vector<2000x1xf32>
    tpu.vector_store %arg6[%swap3A_29, %swap3A_30], %add3A {strides = array<i32>} : memref<2000x1xf32, #tpu.memory_space<vmem>>, vector<2000x1xf32>,
    return
  }
  func.func @transform_0(%arg0: i32) -> (i32, i32) {
    %c0_i32 = arith.constant 0 : i32
    %c0_i32_0 = arith.constant 0 : i32
    return %arg0, %c0_i32 : i32, i32
  }
  func.func @transform_1(%arg0: i32) -> (i32, i32) {
    %c0_i32 = arith.constant 0 : i32
    %c0_i32_0 = arith.constant 0 : i32
    return %arg0, %c0_i32 : i32, i32
  }
  func.func @transform_2(%arg0: i32) -> (i32, i32) {
    %c0_i32 = arith.constant 0 : i32
    %c0_i32_0 = arith.constant 0 : i32
    return %arg0, %c0_i32 : i32, i32
  }
  func.func @transform_3(%arg0: i32) -> (i32, i32) {
    %c0_i32 = arith.constant 0 : i32
    %c0_i32_0 = arith.constant 0 : i32
    %c0_i32_1 = arith.constant 0 : i32
    return %c0_i32, %c0_i32_0 : i32, i32
  }
  func.func @transform_4(%arg0: i32) -> (i32, i32) {
    %c0_i32 = arith.constant 0 : i32
    %c0_i32_0 = arith.constant 0 : i32
    return %arg0, %c0_i32 : i32, i32
  }
  func.func @transform_5(%arg0: i32) -> (i32, i32) {
    %c0_i32 = arith.constant 0 : i32
    %c0_i32_0 = arith.constant 0 : i32
    return %arg0, %c0_i32 : i32, i32
  }
}

module attributes {stable_mosaic.version = 14 : i64} {
  func.func @_dense_lin_body(%arg0: i32, %arg1: memref<2000x48xf32, #tpu.memory_space<vmem>>, %arg2: memref<48x64xf32, #tpu.memory_space<vmem>>, %arg3: memref<1x64xf32, #tpu.memory_space<vmem>>, %arg4: memref<2000x64xf32, #tpu.memory_space<vmem>>) attributes {dimension_semantics = [#tpu.dimension_semantics<arbitrary>], iteration_bounds = array<i64: 5>, scalar_prefetch = 0 : i64, scratch_operands = 0 : i64, tpu.core_type = #tpu.core_type<tc>, window_params = [{transform_indices = @transform_0, window_bounds = array<i64: 2000, 48>}, {pipeline_mode = #tpu.pipeline_mode<synchronous>, transform_indices = @transform_1, window_bounds = array<i64: 48, 64>}, {pipeline_mode = #tpu.pipeline_mode<synchronous>, transform_indices = @transform_2, window_bounds = array<i64: 1, 64>}, {transform_indices = @transform_3, window_bounds = array<i64: 2000, 64>}]} {
    %get3A = arith.constant 0 : index
    %get3A_0 = arith.constant 0 : index
    %get3A_1 = vector.load %arg1[%get3A, %get3A_0] : memref<2000x48xf32, #tpu.memory_space<vmem>>, vector<2000x48xf32>
    %get3A_2 = arith.constant 0 : index
    %get3A_3 = arith.constant 0 : index
    %get3A_4 = vector.load %arg2[%get3A_2, %get3A_3] : memref<48x64xf32, #tpu.memory_space<vmem>>, vector<48x64xf32>
    %dot_general3A = arith.constant dense<0.000000e+00> : vector<2000x64xf32>
    %dot_general3A_5 = tpu.matmul %get3A_1, %get3A_4, %dot_general3A {dimension_numbers = #tpu.dot_dimension_numbers<[1], [0], [0], [1], [0, 0, 1, 1], [], []>, transpose_lhs_hint = false} : vector<2000x48xf32>, vector<48x64xf32>, vector<2000x64xf32> -> vector<2000x64xf32>
    %get3A_6 = arith.constant 0 : index
    %get3A_7 = arith.constant 0 : index
    %get3A_8 = vector.load %arg3[%get3A_6, %get3A_7] : memref<1x64xf32, #tpu.memory_space<vmem>>, vector<1x64xf32>
    %add3A = vector.broadcast %get3A_8 : vector<1x64xf32> to vector<2000x64xf32>
    %add3A_9 = arith.addf %dot_general3A_5, %add3A : vector<2000x64xf32>
    %swap3A = arith.constant 0 : index
    %swap3A_10 = arith.constant 0 : index
    %swap3A_11 = vector.load %arg4[%swap3A, %swap3A_10] : memref<2000x64xf32, #tpu.memory_space<vmem>>, vector<2000x64xf32>
    tpu.vector_store %arg4[%swap3A, %swap3A_10], %add3A_9 {strides = array<i32>} : memref<2000x64xf32, #tpu.memory_space<vmem>>, vector<2000x64xf32>,
    return
  }
  func.func @transform_0(%arg0: i32) -> (i32, i32) {
    %c0_i32 = arith.constant 0 : i32
    %c0_i32_0 = arith.constant 0 : i32
    return %arg0, %c0_i32 : i32, i32
  }
  func.func @transform_1(%arg0: i32) -> (i32, i32) {
    %c0_i32 = arith.constant 0 : i32
    %c0_i32_0 = arith.constant 0 : i32
    %c0_i32_1 = arith.constant 0 : i32
    return %c0_i32, %c0_i32_0 : i32, i32
  }
  func.func @transform_2(%arg0: i32) -> (i32, i32) {
    %c0_i32 = arith.constant 0 : i32
    %c0_i32_0 = arith.constant 0 : i32
    %c0_i32_1 = arith.constant 0 : i32
    return %c0_i32, %c0_i32_0 : i32, i32
  }
  func.func @transform_3(%arg0: i32) -> (i32, i32) {
    %c0_i32 = arith.constant 0 : i32
    %c0_i32_0 = arith.constant 0 : i32
    return %arg0, %c0_i32 : i32, i32
  }
}

module attributes {stable_mosaic.version = 14 : i64} {
  func.func @_combine3_body(%arg0: i32, %arg1: memref<2000x64xf32, #tpu.memory_space<vmem>>, %arg2: memref<2000x64xf32, #tpu.memory_space<vmem>>, %arg3: memref<2000x64xf32, #tpu.memory_space<vmem>>, %arg4: memref<2000x1xf32, #tpu.memory_space<vmem>>, %arg5: memref<1x64xf32, #tpu.memory_space<vmem>>, %arg6: memref<2000x64xf32, #tpu.memory_space<vmem>>) attributes {dimension_semantics = [#tpu.dimension_semantics<arbitrary>], iteration_bounds = array<i64: 5>, scalar_prefetch = 0 : i64, scratch_operands = 0 : i64, tpu.core_type = #tpu.core_type<tc>, window_params = [{transform_indices = @transform_0, window_bounds = array<i64: 2000, 64>}, {transform_indices = @transform_1, window_bounds = array<i64: 2000, 64>}, {transform_indices = @transform_2, window_bounds = array<i64: 2000, 64>}, {transform_indices = @transform_3, window_bounds = array<i64: 2000, 1>}, {pipeline_mode = #tpu.pipeline_mode<synchronous>, transform_indices = @transform_4, window_bounds = array<i64: 1, 64>}, {transform_indices = @transform_5, window_bounds = array<i64: 2000, 64>}]} {
    %get3A = arith.constant 0 : index
    %get3A_0 = arith.constant 0 : index
    %get3A_1 = vector.load %arg1[%get3A, %get3A_0] : memref<2000x64xf32, #tpu.memory_space<vmem>>, vector<2000x64xf32>
    %get3A_2 = arith.constant 0 : index
    %get3A_3 = arith.constant 0 : index
    %get3A_4 = vector.load %arg2[%get3A_2, %get3A_3] : memref<2000x64xf32, #tpu.memory_space<vmem>>, vector<2000x64xf32>
    %add3A = arith.addf %get3A_1, %get3A_4 : vector<2000x64xf32>
    %get3A_5 = arith.constant 0 : index
    %get3A_6 = arith.constant 0 : index
    %get3A_7 = vector.load %arg3[%get3A_5, %get3A_6] : memref<2000x64xf32, #tpu.memory_space<vmem>>, vector<2000x64xf32>
    %add3A_8 = arith.addf %add3A, %get3A_7 : vector<2000x64xf32>
    %get3A_9 = arith.constant 0 : index
    %get3A_10 = arith.constant 0 : index
    %get3A_11 = vector.load %arg4[%get3A_9, %get3A_10] : memref<2000x1xf32, #tpu.memory_space<vmem>>, vector<2000x1xf32>
    %add3A_12 = arith.constant 1.000000e+00 : f32
    %add3A_13 = vector.broadcast %add3A_12 : f32 to vector<2000x1xf32>
    %add3A_14 = arith.addf %get3A_11, %add3A_13 : vector<2000x1xf32>
    %div3A = vector.broadcast %add3A_14 : vector<2000x1xf32> to vector<2000x64xf32>
    %div3A_15 = arith.divf %add3A_8, %div3A : vector<2000x64xf32>
    %get3A_16 = arith.constant 0 : index
    %get3A_17 = arith.constant 0 : index
    %get3A_18 = vector.load %arg5[%get3A_16, %get3A_17] : memref<1x64xf32, #tpu.memory_space<vmem>>, vector<1x64xf32>
    %add3A_19 = vector.broadcast %get3A_18 : vector<1x64xf32> to vector<2000x64xf32>
    %add3A_20 = arith.addf %div3A_15, %add3A_19 : vector<2000x64xf32>
    %max3A = arith.constant 0.000000e+00 : f32
    %max3A_21 = vector.broadcast %max3A : f32 to vector<2000x64xf32>
    %max3A_22 = arith.maximumf %add3A_20, %max3A_21 : vector<2000x64xf32>
    %swap3A = arith.constant 0 : index
    %swap3A_23 = arith.constant 0 : index
    %swap3A_24 = vector.load %arg6[%swap3A, %swap3A_23] : memref<2000x64xf32, #tpu.memory_space<vmem>>, vector<2000x64xf32>
    tpu.vector_store %arg6[%swap3A, %swap3A_23], %max3A_22 {strides = array<i32>} : memref<2000x64xf32, #tpu.memory_space<vmem>>, vector<2000x64xf32>,
    return
  }
  func.func @transform_0(%arg0: i32) -> (i32, i32) {
    %c0_i32 = arith.constant 0 : i32
    %c0_i32_0 = arith.constant 0 : i32
    return %arg0, %c0_i32 : i32, i32
  }
  func.func @transform_1(%arg0: i32) -> (i32, i32) {
    %c0_i32 = arith.constant 0 : i32
    %c0_i32_0 = arith.constant 0 : i32
    return %arg0, %c0_i32 : i32, i32
  }
  func.func @transform_2(%arg0: i32) -> (i32, i32) {
    %c0_i32 = arith.constant 0 : i32
    %c0_i32_0 = arith.constant 0 : i32
    return %arg0, %c0_i32 : i32, i32
  }
  func.func @transform_3(%arg0: i32) -> (i32, i32) {
    %c0_i32 = arith.constant 0 : i32
    %c0_i32_0 = arith.constant 0 : i32
    return %arg0, %c0_i32 : i32, i32
  }
  func.func @transform_4(%arg0: i32) -> (i32, i32) {
    %c0_i32 = arith.constant 0 : i32
    %c0_i32_0 = arith.constant 0 : i32
    %c0_i32_1 = arith.constant 0 : i32
    return %c0_i32, %c0_i32_0 : i32, i32
  }
  func.func @transform_5(%arg0: i32) -> (i32, i32) {
    %c0_i32 = arith.constant 0 : i32
    %c0_i32_0 = arith.constant 0 : i32
    return %arg0, %c0_i32 : i32, i32
  }
}

module attributes {stable_mosaic.version = 14 : i64} {
  func.func @_mlp_body(%arg0: i32, %arg1: memref<2000x96xf32, #tpu.memory_space<vmem>>, %arg2: memref<96x96xf32, #tpu.memory_space<vmem>>, %arg3: memref<1x96xf32, #tpu.memory_space<vmem>>, %arg4: memref<96x32xf32, #tpu.memory_space<vmem>>, %arg5: memref<1x32xf32, #tpu.memory_space<vmem>>, %arg6: memref<32x8xf32, #tpu.memory_space<vmem>>, %arg7: memref<1x8xf32, #tpu.memory_space<vmem>>, %arg8: memref<8x1xf32, #tpu.memory_space<vmem>>, %arg9: memref<1x1xf32, #tpu.memory_space<vmem>>, %arg10: memref<2000x1xf32, #tpu.memory_space<vmem>>) attributes {dimension_semantics = [#tpu.dimension_semantics<arbitrary>], iteration_bounds = array<i64: 5>, scalar_prefetch = 0 : i64, scratch_operands = 0 : i64, tpu.core_type = #tpu.core_type<tc>, window_params = [{transform_indices = @transform_0, window_bounds = array<i64: 2000, 96>}, {pipeline_mode = #tpu.pipeline_mode<synchronous>, transform_indices = @transform_1, window_bounds = array<i64: 96, 96>}, {pipeline_mode = #tpu.pipeline_mode<synchronous>, transform_indices = @transform_2, window_bounds = array<i64: 1, 96>}, {pipeline_mode = #tpu.pipeline_mode<synchronous>, transform_indices = @transform_3, window_bounds = array<i64: 96, 32>}, {pipeline_mode = #tpu.pipeline_mode<synchronous>, transform_indices = @transform_4, window_bounds = array<i64: 1, 32>}, {pipeline_mode = #tpu.pipeline_mode<synchronous>, transform_indices = @transform_5, window_bounds = array<i64: 32, 8>}, {pipeline_mode = #tpu.pipeline_mode<synchronous>, transform_indices = @transform_6, window_bounds = array<i64: 1, 8>}, {pipeline_mode = #tpu.pipeline_mode<synchronous>, transform_indices = @transform_7, window_bounds = array<i64: 8, 1>}, {pipeline_mode = #tpu.pipeline_mode<synchronous>, transform_indices = @transform_8, window_bounds = array<i64: 1, 1>}, {transform_indices = @transform_9, window_bounds = array<i64: 2000, 1>}]} {
    %get3A = arith.constant 0 : index
    %get3A_0 = arith.constant 0 : index
    %get3A_1 = vector.load %arg1[%get3A, %get3A_0] : memref<2000x96xf32, #tpu.memory_space<vmem>>, vector<2000x96xf32>
    %get3A_2 = arith.constant 0 : index
    %get3A_3 = arith.constant 0 : index
    %get3A_4 = vector.load %arg2[%get3A_2, %get3A_3] : memref<96x96xf32, #tpu.memory_space<vmem>>, vector<96x96xf32>
    %dot_general3A = arith.constant dense<0.000000e+00> : vector<2000x96xf32>
    %dot_general3A_5 = tpu.matmul %get3A_1, %get3A_4, %dot_general3A {dimension_numbers = #tpu.dot_dimension_numbers<[1], [0], [0], [1], [0, 0, 1, 1], [], []>, transpose_lhs_hint = false} : vector<2000x96xf32>, vector<96x96xf32>, vector<2000x96xf32> -> vector<2000x96xf32>
    %get3A_6 = arith.constant 0 : index
    %get3A_7 = arith.constant 0 : index
    %get3A_8 = vector.load %arg3[%get3A_6, %get3A_7] : memref<1x96xf32, #tpu.memory_space<vmem>>, vector<1x96xf32>
    %add3A = vector.broadcast %get3A_8 : vector<1x96xf32> to vector<2000x96xf32>
    %add3A_9 = arith.addf %dot_general3A_5, %add3A : vector<2000x96xf32>
    %max3A = arith.constant 0.000000e+00 : f32
    %max3A_10 = vector.broadcast %max3A : f32 to vector<2000x96xf32>
    %max3A_11 = arith.maximumf %add3A_9, %max3A_10 : vector<2000x96xf32>
    %get3A_12 = arith.constant 0 : index
    %get3A_13 = arith.constant 0 : index
    %get3A_14 = vector.load %arg4[%get3A_12, %get3A_13] : memref<96x32xf32, #tpu.memory_space<vmem>>, vector<96x32xf32>
    %dot_general3A_15 = arith.constant dense<0.000000e+00> : vector<2000x32xf32>
    %dot_general3A_16 = tpu.matmul %max3A_11, %get3A_14, %dot_general3A_15 {dimension_numbers = #tpu.dot_dimension_numbers<[1], [0], [0], [1], [0, 0, 1, 1], [], []>, transpose_lhs_hint = false} : vector<2000x96xf32>, vector<96x32xf32>, vector<2000x32xf32> -> vector<2000x32xf32>
    %get3A_17 = arith.constant 0 : index
    %get3A_18 = arith.constant 0 : index
    %get3A_19 = vector.load %arg5[%get3A_17, %get3A_18] : memref<1x32xf32, #tpu.memory_space<vmem>>, vector<1x32xf32>
    %add3A_20 = vector.broadcast %get3A_19 : vector<1x32xf32> to vector<2000x32xf32>
    %add3A_21 = arith.addf %dot_general3A_16, %add3A_20 : vector<2000x32xf32>
    %max3A_22 = arith.constant 0.000000e+00 : f32
    %max3A_23 = vector.broadcast %max3A_22 : f32 to vector<2000x32xf32>
    %max3A_24 = arith.maximumf %add3A_21, %max3A_23 : vector<2000x32xf32>
    %get3A_25 = arith.constant 0 : index
    %get3A_26 = arith.constant 0 : index
    %get3A_27 = vector.load %arg6[%get3A_25, %get3A_26] : memref<32x8xf32, #tpu.memory_space<vmem>>, vector<32x8xf32>
    %dot_general3A_28 = arith.constant dense<0.000000e+00> : vector<2000x8xf32>
    %dot_general3A_29 = tpu.matmul %max3A_24, %get3A_27, %dot_general3A_28 {dimension_numbers = #tpu.dot_dimension_numbers<[1], [0], [0], [1], [0, 0, 1, 1], [], []>, transpose_lhs_hint = false} : vector<2000x32xf32>, vector<32x8xf32>, vector<2000x8xf32> -> vector<2000x8xf32>
    %get3A_30 = arith.constant 0 : index
    %get3A_31 = arith.constant 0 : index
    %get3A_32 = vector.load %arg7[%get3A_30, %get3A_31] : memref<1x8xf32, #tpu.memory_space<vmem>>, vector<1x8xf32>
    %add3A_33 = vector.broadcast %get3A_32 : vector<1x8xf32> to vector<2000x8xf32>
    %add3A_34 = arith.addf %dot_general3A_29, %add3A_33 : vector<2000x8xf32>
    %max3A_35 = arith.constant 0.000000e+00 : f32
    %max3A_36 = vector.broadcast %max3A_35 : f32 to vector<2000x8xf32>
    %max3A_37 = arith.maximumf %add3A_34, %max3A_36 : vector<2000x8xf32>
    %get3A_38 = arith.constant 0 : index
    %get3A_39 = arith.constant 0 : index
    %get3A_40 = vector.load %arg8[%get3A_38, %get3A_39] : memref<8x1xf32, #tpu.memory_space<vmem>>, vector<8x1xf32>
    %dot_general3A_41 = arith.constant dense<0.000000e+00> : vector<2000x1xf32>
    %dot_general3A_42 = tpu.matmul %max3A_37, %get3A_40, %dot_general3A_41 {dimension_numbers = #tpu.dot_dimension_numbers<[1], [0], [0], [1], [0, 0, 1, 1], [], []>, transpose_lhs_hint = false} : vector<2000x8xf32>, vector<8x1xf32>, vector<2000x1xf32> -> vector<2000x1xf32>
    %get3A_43 = arith.constant 0 : index
    %get3A_44 = arith.constant 0 : index
    %get3A_45 = vector.load %arg9[%get3A_43, %get3A_44] : memref<1x1xf32, #tpu.memory_space<vmem>>, vector<1x1xf32>
    %add3A_46 = vector.broadcast %get3A_45 : vector<1x1xf32> to vector<2000x1xf32>
    %add3A_47 = arith.addf %dot_general3A_42, %add3A_46 : vector<2000x1xf32>
    %logistic3A = arith.negf %add3A_47 : vector<2000x1xf32>
    %logistic3A_48 = math.exp %logistic3A : vector<2000x1xf32>
    %logistic3A_49 = arith.constant 1.000000e+00 : f32
    %logistic3A_50 = vector.broadcast %logistic3A_49 : f32 to vector<2000x1xf32>
    %logistic3A_51 = arith.addf %logistic3A_50, %logistic3A_48 : vector<2000x1xf32>
    %logistic3A_52 = arith.divf %logistic3A_50, %logistic3A_51 : vector<2000x1xf32>
    %swap3A = arith.constant 0 : index
    %swap3A_53 = arith.constant 0 : index
    %swap3A_54 = vector.load %arg10[%swap3A, %swap3A_53] : memref<2000x1xf32, #tpu.memory_space<vmem>>, vector<2000x1xf32>
    tpu.vector_store %arg10[%swap3A, %swap3A_53], %logistic3A_52 {strides = array<i32>} : memref<2000x1xf32, #tpu.memory_space<vmem>>, vector<2000x1xf32>,
    return
  }
  func.func @transform_0(%arg0: i32) -> (i32, i32) {
    %c0_i32 = arith.constant 0 : i32
    %c0_i32_0 = arith.constant 0 : i32
    return %arg0, %c0_i32 : i32, i32
  }
  func.func @transform_1(%arg0: i32) -> (i32, i32) {
    %c0_i32 = arith.constant 0 : i32
    %c0_i32_0 = arith.constant 0 : i32
    %c0_i32_1 = arith.constant 0 : i32
    return %c0_i32, %c0_i32_0 : i32, i32
  }
  func.func @transform_2(%arg0: i32) -> (i32, i32) {
    %c0_i32 = arith.constant 0 : i32
    %c0_i32_0 = arith.constant 0 : i32
    %c0_i32_1 = arith.constant 0 : i32
    return %c0_i32, %c0_i32_0 : i32, i32
  }
  func.func @transform_3(%arg0: i32) -> (i32, i32) {
    %c0_i32 = arith.constant 0 : i32
    %c0_i32_0 = arith.constant 0 : i32
    %c0_i32_1 = arith.constant 0 : i32
    return %c0_i32, %c0_i32_0 : i32, i32
  }
  func.func @transform_4(%arg0: i32) -> (i32, i32) {
    %c0_i32 = arith.constant 0 : i32
    %c0_i32_0 = arith.constant 0 : i32
    %c0_i32_1 = arith.constant 0 : i32
    return %c0_i32, %c0_i32_0 : i32, i32
  }
  func.func @transform_5(%arg0: i32) -> (i32, i32) {
    %c0_i32 = arith.constant 0 : i32
    %c0_i32_0 = arith.constant 0 : i32
    %c0_i32_1 = arith.constant 0 : i32
    return %c0_i32, %c0_i32_0 : i32, i32
  }
  func.func @transform_6(%arg0: i32) -> (i32, i32) {
    %c0_i32 = arith.constant 0 : i32
    %c0_i32_0 = arith.constant 0 : i32
    %c0_i32_1 = arith.constant 0 : i32
    return %c0_i32, %c0_i32_0 : i32, i32
  }
  func.func @transform_7(%arg0: i32) -> (i32, i32) {
    %c0_i32 = arith.constant 0 : i32
    %c0_i32_0 = arith.constant 0 : i32
    %c0_i32_1 = arith.constant 0 : i32
    return %c0_i32, %c0_i32_0 : i32, i32
  }
  func.func @transform_8(%arg0: i32) -> (i32, i32) {
    %c0_i32 = arith.constant 0 : i32
    %c0_i32_0 = arith.constant 0 : i32
    %c0_i32_1 = arith.constant 0 : i32
    return %c0_i32, %c0_i32_0 : i32, i32
  }
  func.func @transform_9(%arg0: i32) -> (i32, i32) {
    %c0_i32 = arith.constant 0 : i32
    %c0_i32_0 = arith.constant 0 : i32
    return %arg0, %c0_i32 : i32, i32
  }
}

</mosaic_0001>

<sc_bundles>
// kernel: kernel.12.cloned.1.call-start
scs
__scs_entry_jumppad:
0x0: {  	(pc) =	sbr.rel $0x88, $3  }
0x1: {  	(tag) =	ssettag $0x0;
	lr =	simm.s32 $0x1  }
0x2: {  	[smem:$0x3F8B] =	sst lr;
	_ =	strace $0xD0000000  }
0x3: {  	_ = 	snop  }
0x4: {  	_ = 	snop  }
0x5: {  	_ = 	snop  }
0x6: {  	_ = 	snop  }
0x7: {  	_ = 	snop  }
__scs_overlays_trampoline_lowered:
0x8: {  	[smem:$0x3F9A] =	sst s0  }
0x9: {  	[smem:$0x3F9B] =	sst s1  }
0xa: {  	[smem:$0x3F9C] =	sst s2  }
0xb: {  	[smem:$0x3F9D] =	sst s3  }
0xc: {  	[smem:$0x3F9E] =	sst s4  }
0xd: {  	[smem:$0x3F9F] =	sst s5  }
0xe: {  	[smem:$0x3FA0] =	sst s6  }
0xf: {  	[smem:$0x3FA1] =	sst s7  }
0x10: {  	[smem:$0x3FA2] =	sst s8  }
0x11: {  	[smem:$0x3FA3] =	sst s9;
	s0 =	simm.s32 @!p0 $0x0  }
0x12: {  	s1 =	sld [smem:$0x3F89];
	s0 =	simm.s32 @p0 $0x1  }
0x13: {  	[smem:$0x3FA4] =	sst s0;
	s0 =	simm.s32 @!p1 $0x0  }
0x14: {  	s2 =	sld [smem:$0x3F88];
	s0 =	simm.s32 @p1 $0x1  }
0x15: {  	[smem:$0x3FA5] =	sst s0;
	s0 =	simm.s32 @!p2 $0x0  }
0x16: {  	s3 =	sld [smem:$0x3FDB];
	s0 =	simm.s32 @p2 $0x1  }
0x17: {  	s4 =	simm.s32 $0x1BF5;
	[smem:$0x3FA7] =	sst s0  }
0x18: {  	s0 =	sld [smem:$0x3F8A];
	_ =	swait.ge [sflag:s4], $0x0  }
0x19: {  	s7 =	sld [smem:$0x3F8B]  }
0x1a: {  	s8 =	sadd.s32 $0xFFFFE003, lr  }
0x1b: {  	s9 =	sadd.s32 $0xFFFFFEF7, lr;
	s5 =	simm.s32 $0xFFFFFFFF;
	p2 =	slt.u32 s8, $0xFFFFF086  }
0x1c: {  	p1 =	slt.u32 s9, $0xF7A;
	s5 =	simm.s32 @!p2 $0x0  }
0x1d: {  	s5 =	simm.s32 @p1 $0x1;
	p0 =	seq.s32 s7, s2  }
0x1e: {  	s7 =	smul.u32 @!p0 $0xF7A, s2;
	p2 =	seq.s32 @!p0 s5, $0x0  }
0x1f: {  	s9 =	smul.u32 $0xF7A, s1;
	s8 =	simm.s32 @!p0 $0x1BF5;
	p2 =	por !p2, p0  }
0x20: {  	[sflag:s8] =	ssyncset.s32 @!p0 $0xFFFFF086;
	s6 =	sadd.s32 @!p0 s3, s7;
	s7 =	simm.s32 @!p0 $0x108  }
0x21: {  	s3 =	sadd.s32 s3, s9;
	s6 =	sadd.s32 @!p0 $0x88, s6;
	s7 =	simm.s32 @p2 $0x1082  }
0x22: {  	[simem:s7], [sflag:s8] =	dma.local @!p0 [hbm:s6], $0xF7A  }
0x23: {  	s9 =	sor.u32 $0xD0000000, s2;
	s6 =	simm.s32 $0x108;
	_ =	swait.ge @!p0 [sflag:s8], $0x0  }
0x24: {  	s3 =	sadd.s32 $0x88, s3;
	s6 =	simm.s32 @!p1 $0x1082;
	[sflag:s4] =	ssyncset.s32 $0xFFFFF086  }
0x25: {  	[simem:s6], [sflag:s4] =	dma.local [hbm:s3], $0xF7A  }
0x26: {  	[smem:$0x3F8B] =	sst s1;
	(tag) =	ssettag s2;
	_ =	strace s9  }
0x27: {  	s1 =	sld [smem:$0x3F9B]  }
0x28: {  	s2 =	sld [smem:$0x3F9C]  }
0x29: {  	s4 =	sld [smem:$0x3F9E]  }
0x2a: {  	p0 =	seq.s32 s5, $0x0;
	s5 =	sld [smem:$0x3F9F]  }
0x2b: {  	s6 =	sld [smem:$0x3FA0]  }
0x2c: {  	s7 =	sld [smem:$0x3FA1]  }
0x2d: {  	s3 =	simm.s32 $0x108;
	s8 =	sld [smem:$0x3FA2]  }
0x2e: {  	s3 =	simm.s32 @!p0 $0x1082;
	s9 =	sld [smem:$0x3FA3]  }
0x2f: {  	lr =	sadd.s32 s0, s3;
	s0 =	sld [smem:$0x3F9A]  }
0x30: {  	s3 =	sld [smem:$0x3F9D]  }
0x31: {  	[smem:$0x3FA6] =	sst s10  }
0x32: {  	s10 =	sld [smem:$0x3FA4];
	_ =	sdelay $0x3  }
0x33: {  	p0 =	seq.s32 s10, $0x1;
	s10 =	sld [smem:$0x3FA6];
	_ =	sdelay $0x3  }
0x34: {  	[smem:$0x3FA6] =	sst s10  }
0x35: {  	s10 =	sld [smem:$0x3FA5];
	_ =	sdelay $0x3  }
0x36: {  	p1 =	seq.s32 s10, $0x1;
	s10 =	sld [smem:$0x3FA6];
	_ =	sdelay $0x3  }
0x37: {  	[smem:$0x3FA6] =	sst s10  }
0x38: {  	s10 =	sld [smem:$0x3FA7]  }
0x39: {  	_ = 	snop;
	(pc) =	sbr.ind lr, $3  }
0x3a: {  	_ = 	snop  }
0x3b: {  	_ = 	snop  }
0x3c: {  	p2 =	seq.s32 s10, $0x1;
	s10 =	sld [smem:$0x3FA6]  }
0x3d: {  	_ =	shalt  }
0x3e: {  	_ =	shalt  }
0x3f: {  	_ =	shalt  }
0x40: {  	_ =	shalt  }
0x41: {  	_ =	shalt  }
0x42: {  	_ =	shalt  }
0x43: {  	_ =	shalt  }
0x44: {  	_ =	shalt  }
0x45: {  	_ =	shalt  }
0x46: {  	_ =	shalt  }
0x47: {  	_ =	shalt  }
0x48: {  	_ =	shalt  }
0x49: {  	_ =	shalt  }
0x4a: {  	_ =	shalt  }
0x4b: {  	_ =	shalt  }
0x4c: {  	_ =	shalt  }
0x4d: {  	_ =	shalt  }
0x4e: {  	_ =	shalt  }
0x4f: {  	_ =	shalt  }
0x50: {  	_ =	shalt  }
0x51: {  	_ =	shalt  }
0x52: {  	_ =	shalt  }
0x53: {  	_ =	shalt  }
0x54: {  	_ =	shalt  }
0x55: {  	_ =	shalt  }
0x56: {  	_ =	shalt  }
0x57: {  	_ =	shalt  }
0x58: {  	_ =	shalt  }
0x59: {  	_ =	shalt  }
0x5a: {  	_ =	shalt  }
0x5b: {  	_ =	shalt  }
0x5c: {  	_ =	shalt  }
0x5d: {  	_ =	shalt  }
0x5e: {  	_ =	shalt  }
0x5f: {  	_ =	shalt  }
0x60: {  	_ =	shalt  }
0x61: {  	_ =	shalt  }
0x62: {  	_ =	shalt  }
0x63: {  	_ =	shalt  }
0x64: {  	_ =	shalt  }
0x65: {  	_ =	shalt  }
0x66: {  	_ =	shalt  }
0x67: {  	_ =	shalt  }
0x68: {  	_ =	shalt  }
0x69: {  	_ =	shalt  }
0x6a: {  	_ =	shalt  }
0x6b: {  	_ =	shalt  }
0x6c: {  	_ =	shalt  }
0x6d: {  	_ =	shalt  }
0x6e: {  	_ =	shalt  }
0x6f: {  	_ =	shalt  }
0x70: {  	_ =	shalt  }
0x71: {  	_ =	shalt  }
0x72: {  	_ =	shalt  }
0x73: {  	_ =	shalt  }
0x74: {  	_ =	shalt  }
0x75: {  	_ =	shalt  }
0x76: {  	_ =	shalt  }
0x77: {  	_ =	shalt  }
0x78: {  	_ =	shalt  }
0x79: {  	_ =	shalt  }
0x7a: {  	_ =	shalt  }
0x7b: {  	_ =	shalt  }
0x7c: {  	_ =	shalt  }
0x7d: {  	_ =	shalt  }
0x7e: {  	_ =	shalt  }
0x7f: {  	_ =	shalt  }
0x80: {  	_ =	shalt  }
0x81: {  	_ =	shalt  }
0x82: {  	_ =	shalt  }
0x83: {  	_ =	shalt  }
0x84: {  	_ =	shalt  }
0x85: {  	_ =	shalt  }
0x86: {  	_ =	shalt  }
0x87: {  	_ =	shalt  }
.Lfunc_end0:
.L_simem_size_0:
called_computation.1_lowered:
.L_overlay_start_0:
0x88: {  	s2 =	sld [smem:$0x3FD9]  }
0x89: {  	s3 =	sld [smem:$0x3FFE];
	_ =	sdelay $0x1  }
0x8a: {  	s1 =	srdreg.scid  }
0x8b: {  	s0 =	sand.u32 $0x1, s1  }
0x8c: {  	s16 =	sshll.u32 s0, $0xA;
	s2 =	sadd.s32 s3, s2  }
0x8d: {  	s2 =	sadd.s32 s2, s16  }
0x8e: {  	[smem:$0x3FB2] =	sst s2  }
0x8f: {  	_ = 	snop  }
0x90: {  	(tm) =	ssettm $0x1  }
0x91: {  	s17 =	sld [smem:$0x3FFB];
	_ =	sdelay $0x3  }
0x92: {  	_ =	strace s17  }
0x93: {  	s2 =	sld [smem:$0x3FFC];
	_ =	sdelay $0x3  }
0x94: {  	_ =	strace s2  }
0x95: {  	s2 =	sld [smem:$0x3FFD];
	_ =	sdelay $0x3  }
0x96: {  	_ =	strace s2  }
0x97: {  	_ =	strace $0x8FFFFFFF  }
0x98: {  	s18 =	sld [smem:$0x3FDB];
	_ =	sdelay $0x1  }
0x99: {  	s19 =	simm.s32 $_scs_section_size  }
0x9a: {  	s4 =	simm.s32 $_size__tile_overlayer_lowered;
	s5 =	simm.s32 $_tile_overlayer_lowered  }
0x9b: {  	s22 =	simm.s32 $0x1BFF;
	s21 =	sshll.u32 s5, $0x1;
	s2 =	sadd.s32 s19, s18  }
0x9c: {  	s6 =	simm.s32 $0x0;
	s20 =	sshll.u32 s4, $0x1;
	s4 =	sadd.s32 s21, s2  }
0x9d: {  	[timem:s6], [sflag:s22] =	dma.local [hbm:s4], s20  }
0x9e: {  	_ =	swait.ge [sflag:s22], s20  }
0x9f: {  	s3 =	ssub.s32 $0x0, s20;
	[sflag:s22] =	ssyncset.done $0x0  }
0xa0: {  	[sflag:s22] =	ssyncadd.s32 s3;
	_ =	sdelay $0x1  }
0xa1: {  	s23 =	simm.s32 $0x1B8B  }
0xa2: {  	_ =	swait.ge [sflag:s23], $0x1  }
0xa3: {  	[sflag:s23] =	ssyncset.done $0x0  }
0xa4: {  	s25 =	simm.s32 $0x1B8E;
	s24 =	sld [smem:$0x3FFE];
	[sflag:s23] =	ssyncadd.s32 $0xFFFFFFFF  }
0xa5: {  	s26 =	simm.s32 $execute0_lowered;
	[smem:$0x3FD2] =	sst s25  }
0xa6: {  	s4 =	sshll.u32 s26, $0x1;
	_ =	strace $0x80000049;
	[dreg:$0x1] =	wrdreg $0xFFFFFFFF  }
0xa7: {  	s28 =	simm.s32 $_size_execute0_lowered;
	s2 =	sadd.s32 s2, s4;
	[dreg:$0x0] =	wrdreg $0x0  }
0xa8: {  	s4 =	sshll.u32 s28, $0x1;
	[dreg:$0x2] =	wrdreg s2  }
0xa9: {  	[dreg:$0x3] =	wrdreg s4  }
0xaa: {  	[dreg:$0x4] =	wrdreg $0xC0  }
0xab: {  	_ =	task [dreg:s6], $0x5FFFF  }
0xac: {  	[dreg:$0x1] =	wrdreg $0xFFFFFFFF  }
0xad: {  	[dreg:$0x0] =	wrdreg $0x60  }
0xae: {  	[dreg:$0x2] =	wrdreg s24  }
0xaf: {  	[dreg:$0x3] =	wrdreg $0x0  }
0xb0: {  	[dreg:$0x4] =	wrdreg $0x9  }
0xb1: {  	_ =	task.clear_ibuf [dreg:s6], $0x5FFFF;
	_ =	strace $0x90000049  }
0xb2: {  	s29 =	simm.s32 $0x9;
	_ =	strace $0x8000004B  }
0xb3: {  	_ =	swait.ge [sflag:s29], $0x1  }
0xb4: {  	[sflag:s29] =	ssyncadd.s32 $0xFFFFFFFF  }
0xb5: {  	_ =	strace $0x9000004B  }
0xb6: {  	_ =	sfence  }
0xb7: {  	s30 =	sld [smem:$0x0];
	_ =	sdelay $0x2  }
0xb8: {  	s31 =	sshll.u32 s1, $0xD;
	s1 =	sshrl.u32 s1, $0x2  }
0xb9: {  	s3 =	sand.u32 $0x4000, s31;
	s1 =	sadd.s32 s1, s30  }
0xba: {  	s0 =	sor.u32 s3, s0;
	s1 =	sshll.u32 s1, $0x11  }
0xbb: {  	s0 =	sor.u32 s1, s0  }
0xbc: {  	s0 =	sadd.s32 $0x8F2B, s0  }
0xbd: {  	[sflag:s0] =	ssyncadd.remote.s32 $0x1  }
0xbe: {  	_ =	sfence.sel $0xFFFF  }
0xbf: {  	[dreg:$0x0] =	wrdreg $0xFFFFFFFF;
	(pc) =	sbr.abs _section_cstart, $3  }
0xc0: {  	[dreg:$0x1] =	wrdreg $0xFFFFFFFF  }
0xc1: {  	_ =	task.clear_ibuf [dreg:s6], $0x2FFFF;
	_ =	strace $0x9FFFFFFF  }
0xc2: {  	(tm) =	ssettm $0x7FFFFFFF  }
0xc3: {  	_ =	shalt  }
tec
execute0_lowered:
.L_overlay_start_1:
0x0: {  	(tag) =	ssettag $0x1  }
0x1: {  	s7 =	rddreg [dreg:$0x0];
	s1 =	srdreg.scid  }
0x2: {  	s0 =	stileid.u32;
	s2 =	rddreg [dreg:$0x1]  }
0x3: {  	s3 =	simm.s32 $0x0;
	s12 =	simm.s32 $0x2;
	s13 =	simm.s32 $0xA000  }
0x4: {  	s14 =	simm.s32 $0xC780;
	s15 =	simm.s32 $0x80;
	s16 =	simm.s32 $0xEF80  }
0x5: {  	s17 =	simm.s32 $0x1;
	s18 =	simm.s32 $0xEF00;
	s21 =	simm.s32 $0x0  }
0x6: {  	s6 =	sand.u32 $0x1, s1;
	s8 =	smul.u32 $0xA000, s0;
	s1 =	rddreg [dreg:$0x2]  }
0x7: {  	[smem:$0x7FF] =	sst s3;
	s11 =	smul.u32 $0x2780, s0;
	s4 =	sadd.s32 $0x81400, s7  }
0x8: {  	s5 =	sadd.s32 $0x3AE00, s7;
	s19 =	sshll.u32 s0, $0x6;
	s9 =	smul.u32 $0xA0000, s6  }
0x9: {  	s10 =	smul.u32 $0x27800, s6;
	_ =	strace $0x8000004A;
	s6 =	ssub.s32 $0x2, s6  }
0xa: {  	s19 =	sor.u32 $0x1C02, s19;
	s31 =	sshrl.u32 s6, $0x1;
	s9 =	sadd.s32 s8, s9  }
0xb: {  	v7 =	vlaneseq.u32;
	s10 =	sadd.s32 s11, s10;
	s11 =	ssub.s32 s6, s31;
	s6 =	sadd.s32 s8, s2  }
0xc: {  	v0 =	vor.u32 $0x2710, v7;
	v1 =	vor.u32 $0x2720, v7;
	s9 =	sshrl.u32 s9, $0x3;
	s10 =	sshrl.u32 s10, $0x3;
	s20 =	sshrl.u32 s6, $0x3  }
0xd: {  	v2 =	vor.u32 $0x2730, v7;
	v3 =	vor.u32 $0x2740, v7;
	v4 =	vor.u32 $0x2750, v7;
	s9 =	sadd.s32 s9, s7;
	s7 =	sadd.s32 s7, s10;
	s10 =	smax.u32 s11, $0x1  }
0xe: {  	v5 =	vor.u32 $0x2760, v7;
	v6 =	vor.u32 $0x2770, v7;
	v7 =	vor.u32 $0x2780, v7;
	s11 =	simm.s32 $0x10F80;
	s8 =	sadd.s32 $0x9E00, s7;
	s9 =	sadd.s32 $0x94E00, s9  }
.LBB2_1:
0xf: {  	[tilespmem:s11], [sflag:$0x2] =	stream.linear.gather [hbm4b:s5+s3], $0xA000, $0x38;
	[tilespmem:$0x1AF80] =	vst v63  }
0x10: {  	_ =	swait.ge [sflag:s12], $0xA000  }
0x11: {  	[sflag:s12] =	ssyncset.done $0x0  }
0x12: {  	[sflag:s12] =	ssyncadd.s32 $0xFFFF6000  }
0x13: {  	[spmem:s6] =	stream.linear.scatter [tilespmem:s11], [sflag:$0x2], $0xA000, $0x38;
	[tilespmem:$0x1AF80] =	vst v63  }
0x14: {  	_ =	swait.ge [sflag:s12], $0xA000  }
0x15: {  	[sflag:s12] =	ssyncset.done $0x0  }
0x16: {  	[sflag:s12] =	ssyncadd.s32 $0xFFFF6000  }
0x17: {  	[tilespmem:s13], [sflag:$0x2] =	stream.linear.gather [hbm4b:s7+s3], $0x2780, $0x38;
	[tilespmem:$0x1AF80] =	vst v63  }
0x18: {  	_ =	swait.ge [sflag:s12], $0x2780  }
0x19: {  	[sflag:s12] =	ssyncset.done $0x0  }
0x1a: {  	[sflag:s12] =	ssyncadd.s32 $0xFFFFD880  }
0x1b: {  	[tilespmem:s14], [sflag:$0x2] =	stream.linear.gather [hbm4b:s8+s3], $0x2780, $0x38;
	[tilespmem:$0x1AF80] =	vst v63  }
0x1c: {  	_ =	swait.ge [sflag:s12], $0x2780  }
0x1d: {  	[sflag:s12] =	ssyncset.done $0x0  }
0x1e: {  	[sflag:s12] =	ssyncadd.s32 $0xFFFFD880  }
0x1f: {  	s22 =	simm.s32 $0x0;
	[bflag:$0x0] =	sbarrier.arrive $0xFFFF  }
0x20: {  	v8 =	vld [tilespmem:s22+$0xA000]  }
0x21: {  	v9 =	vld [tilespmem:s22+$0xC780];
	_ =	sdelay $0x4  }
0x22: {  	vm0 =	veq.s32 v8, v9  }
0x23: {  	v8 =	vsel vm0, v0, v9  }
0x24: {  	[tilespmem:$0xEF00] =	vst v8  }
0x25: {  	v8 =	vld [tilespmem:s22+$0xA010]  }
0x26: {  	v9 =	vld [tilespmem:s22+$0xC790];
	_ =	sdelay $0x4  }
0x27: {  	vm9 =	veq.s32 v8, v9  }
0x28: {  	v8 =	vsel vm9, v1, v9  }
0x29: {  	[tilespmem:$0xEF10] =	vst v8  }
0x2a: {  	v8 =	vld [tilespmem:s22+$0xA020]  }
0x2b: {  	v9 =	vld [tilespmem:s22+$0xC7A0];
	_ =	sdelay $0x4  }
0x2c: {  	vm10 =	veq.s32 v8, v9  }
0x2d: {  	v8 =	vsel vm10, v2, v9  }
0x2e: {  	[tilespmem:$0xEF20] =	vst v8  }
0x2f: {  	v8 =	vld [tilespmem:s22+$0xA030]  }
0x30: {  	v9 =	vld [tilespmem:s22+$0xC7B0];
	_ =	sdelay $0x4  }
0x31: {  	vm11 =	veq.s32 v8, v9  }
0x32: {  	v8 =	vsel vm11, v3, v9  }
0x33: {  	[tilespmem:$0xEF30] =	vst v8  }
0x34: {  	v8 =	vld [tilespmem:s22+$0xA040]  }
0x35: {  	v9 =	vld [tilespmem:s22+$0xC7C0];
	_ =	sdelay $0x4  }
0x36: {  	vm12 =	veq.s32 v8, v9  }
0x37: {  	v8 =	vsel vm12, v4, v9  }
0x38: {  	[tilespmem:$0xEF40] =	vst v8  }
0x39: {  	v8 =	vld [tilespmem:s22+$0xA050]  }
0x3a: {  	v9 =	vld [tilespmem:s22+$0xC7D0];
	_ =	sdelay $0x4  }
0x3b: {  	vm13 =	veq.s32 v8, v9  }
0x3c: {  	v8 =	vsel vm13, v5, v9  }
0x3d: {  	[tilespmem:$0xEF50] =	vst v8  }
0x3e: {  	v8 =	vld [tilespmem:s22+$0xA060]  }
0x3f: {  	v9 =	vld [tilespmem:s22+$0xC7E0];
	_ =	sdelay $0x4  }
0x40: {  	vm14 =	veq.s32 v8, v9  }
0x41: {  	v8 =	vsel vm14, v6, v9  }
0x42: {  	[tilespmem:$0xEF60] =	vst v8  }
0x43: {  	v8 =	vld [tilespmem:s22+$0xA070]  }
0x44: {  	v9 =	vld [tilespmem:s22+$0xC7F0];
	_ =	sdelay $0x4  }
0x45: {  	vm15 =	veq.s32 v8, v9  }
0x46: {  	s24 =	simm.s32 $0xA000;
	s22 =	simm.s32 $0x200;
	v8 =	vsel vm15, v7, v9  }
.LBB2_2:
0x47: {  	p0 =	sne.s32 s22, $0x9C00;
	[tilespmem:$0xEF70] =	vst v8;
	s23 =	smov.u32 s22;
	s22 =	sadd.s32 $0x200, s22  }
0x48: {  	[tilespmem:s16], [sflag:$0x1] =	stream.indirect.gather [hbm4b:s4+s15], $0x40, s24, s15, $0xb8;
	[tilespmem:$0x1AF80] =	vst v63  }
0x49: {  	_ =	swait.ge [sflag:s17], $0x2000  }
0x4a: {  	[sflag:s17] =	ssyncset.done $0x0  }
0x4b: {  	[sflag:s17] =	ssyncadd.s32 $0xFFFFE000  }
0x4c: {  	[spmem:s2] =	stream.indirect.scatter.add.f32 [tilespmem:s16], [sflag:$0x2], $0x40, s18, s15, $0xb8;
	[tilespmem:$0x1AF80] =	vst v63  }
0x4d: {  	_ =	swait.ge [sflag:s12], $0x2000  }
0x4e: {  	[sflag:s12] =	ssyncset.done $0x0  }
0x4f: {  	s23 =	sshra.s32 s23, $0x2;
	[sflag:s12] =	ssyncadd.s32 $0xFFFFE000  }
0x50: {  	v8 =	vld [tilespmem:s23+$0xA000]  }
0x51: {  	v9 =	vld [tilespmem:s23+$0xC780];
	_ =	sdelay $0x4  }
0x52: {  	vm0 =	veq.s32 v8, v9  }
0x53: {  	v8 =	vsel vm0, v0, v9  }
0x54: {  	[tilespmem:$0xEF00] =	vst v8  }
0x55: {  	v8 =	vld [tilespmem:s23+$0xA010]  }
0x56: {  	v9 =	vld [tilespmem:s23+$0xC790];
	_ =	sdelay $0x4  }
0x57: {  	vm0 =	veq.s32 v8, v9  }
0x58: {  	v8 =	vsel vm0, v1, v9  }
0x59: {  	[tilespmem:$0xEF10] =	vst v8  }
0x5a: {  	v8 =	vld [tilespmem:s23+$0xA020]  }
0x5b: {  	v9 =	vld [tilespmem:s23+$0xC7A0];
	_ =	sdelay $0x4  }
0x5c: {  	vm0 =	veq.s32 v8, v9  }
0x5d: {  	v8 =	vsel vm0, v2, v9  }
0x5e: {  	[tilespmem:$0xEF20] =	vst v8  }
0x5f: {  	v8 =	vld [tilespmem:s23+$0xA030]  }
0x60: {  	v9 =	vld [tilespmem:s23+$0xC7B0];
	_ =	sdelay $0x4  }
0x61: {  	vm0 =	veq.s32 v8, v9  }
0x62: {  	v8 =	vsel vm0, v3, v9  }
0x63: {  	[tilespmem:$0xEF30] =	vst v8  }
0x64: {  	v8 =	vld [tilespmem:s23+$0xA040]  }
0x65: {  	v9 =	vld [tilespmem:s23+$0xC7C0];
	_ =	sdelay $0x4  }
0x66: {  	vm0 =	veq.s32 v8, v9  }
0x67: {  	v8 =	vsel vm0, v4, v9  }
0x68: {  	[tilespmem:$0xEF40] =	vst v8  }
0x69: {  	v8 =	vld [tilespmem:s23+$0xA050]  }
0x6a: {  	v9 =	vld [tilespmem:s23+$0xC7D0];
	_ =	sdelay $0x4  }
0x6b: {  	vm0 =	veq.s32 v8, v9  }
0x6c: {  	v8 =	vsel vm0, v5, v9  }
0x6d: {  	[tilespmem:$0xEF50] =	vst v8  }
0x6e: {  	v8 =	vld [tilespmem:s23+$0xA060]  }
0x6f: {  	v9 =	vld [tilespmem:s23+$0xC7E0];
	_ =	sdelay $0x4  }
0x70: {  	vm0 =	veq.s32 v8, v9  }
0x71: {  	v8 =	vsel vm0, v6, v9  }
0x72: {  	[tilespmem:$0xEF60] =	vst v8  }
0x73: {  	s24 =	sadd.s32 $0xA000, s23;
	v8 =	vld [tilespmem:s23+$0xA070]  }
0x74: {  	v9 =	vld [tilespmem:s23+$0xC7F0];
	_ =	sdelay $0x1  }
.Ltmp0:
0x75: {  	(pc) =	sbr.rel @p0 .LBB2_2-.Ltmp0, $3  }
0x76: {  	_ =	sdelay $0x1  }
0x77: {  	vm0 =	veq.s32 v8, v9  }
0x78: {  	v8 =	vsel vm0, v7, v9  }
0x79: {  	[tilespmem:$0xEF70] =	vst v8  }
0x7a: {  	[tilespmem:s16], [sflag:$0x1] =	stream.indirect.gather [hbm4b:s4+s15], $0x40, s24, s15, $0xb8;
	[tilespmem:$0x1AF80] =	vst v63  }
0x7b: {  	_ =	swait.ge [sflag:s17], $0x2000  }
0x7c: {  	[sflag:s17] =	ssyncset.done $0x0  }
0x7d: {  	[sflag:s17] =	ssyncadd.s32 $0xFFFFE000  }
0x7e: {  	[spmem:s2] =	stream.indirect.scatter.add.f32 [tilespmem:s16], [sflag:$0x2], $0x40, s18, s15, $0xb8;
	[tilespmem:$0x1AF80] =	vst v63  }
0x7f: {  	_ =	swait.ge [sflag:s12], $0x2000  }
0x80: {  	s21 =	sadd.s32 $0x1, s21;
	[sflag:s12] =	ssyncset.done $0x0  }
0x81: {  	p0 =	sne.s32 s21, s10;
	[sflag:s12] =	ssyncadd.s32 $0xFFFFE000  }
.Ltmp1:
0x82: {  	[bflag:$0x0] =	sbarrier.arrive $0xFFFF;
	(pc) =	sbr.rel @p0 .LBB2_1-.Ltmp1, $4  }
0x83: {  	[hbm:s9], [sflag:s19] =	dma.local [spmem:s20], $0x1400  }
0x84: {  	_ =	swait.ge [sflag:s12], $0x1400  }
0x85: {  	[sflag:s12] =	ssyncset.done $0x0  }
0x86: {  	[sflag:s12] =	ssyncadd.s32 $0xFFFFEC00  }
0x87: {  	_ =	sfence.sel $0x180000  }
0x88: {  	[bflag:$0x0] =	sbarrier.arrive $0xFFFF  }
0x89: {  	p0 =	sne.s32 s0, $0x0;
	_ =	strace $0x9000004A  }
0x8a: {  	s0 =	sadd.s32 @!p0 $0x100000, s1;
	[bflag:$0x2] =	sbarrier.arrive $0xFFFF  }
0x8b: {  	[sflag:s0] =	ssyncadd.tile.s32 @!p0 $0x1;
	_ =	shalt  }
.Lfunc_end2:
_tile_overlayer_lowered:
.L_overlay_start_2:
0x8c: {  	(tag) =	ssettag $0x2  }
0x8d: {  	s0 =	rddreg [dreg:$0x0];
	s2 =	stileid.u32  }
0x8e: {  	s1 =	rddreg [dreg:$0x1];
	p0 =	sne.s32 s2, $0x0  }
0x8f: {  	s3 =	rddreg [dreg:$0x2];
	[bflag:$0x3] =	sbarrier.arrive $0xFFFF;
	s2 =	simm.s32 @!p0 $0x1C02  }
0x90: {  	[timem:s3], [sflag:s2] =	dma.local @!p0 [hbm:s0], s1  }
0x91: {  	s0 =	simm.s32 @!p0 $0x2  }
0x92: {  	_ =	swait.ge @!p0 [sflag:s0], s1  }
0x93: {  	s1 =	ssub.s32 @!p0 $0x0, s1;
	[sflag:s0] =	ssyncset.done @!p0 $0x0  }
0x94: {  	[sflag:s0] =	ssyncadd.s32 @!p0 s1  }
0x95: {  	[bflag:$0x3] =	sbarrier.arrive $0xFFFF  }
0x96: {  	_ =	shalt  }

// kernel: kernel.9.cloned.1.call-start
scs
__scs_entry_jumppad:
0x0: {  	(pc) =	sbr.rel $0x88, $3  }
0x1: {  	(tag) =	ssettag $0x0;
	lr =	simm.s32 $0x1  }
0x2: {  	[smem:$0x3F8B] =	sst lr;
	_ =	strace $0xD0000000  }
0x3: {  	_ = 	snop  }
0x4: {  	_ = 	snop  }
0x5: {  	_ = 	snop  }
0x6: {  	_ = 	snop  }
0x7: {  	_ = 	snop  }
__scs_overlays_trampoline_lowered:
0x8: {  	[smem:$0x3F9A] =	sst s0  }
0x9: {  	[smem:$0x3F9B] =	sst s1  }
0xa: {  	[smem:$0x3F9C] =	sst s2  }
0xb: {  	[smem:$0x3F9D] =	sst s3  }
0xc: {  	[smem:$0x3F9E] =	sst s4  }
0xd: {  	[smem:$0x3F9F] =	sst s5  }
0xe: {  	[smem:$0x3FA0] =	sst s6  }
0xf: {  	[smem:$0x3FA1] =	sst s7  }
0x10: {  	[smem:$0x3FA2] =	sst s8  }
0x11: {  	[smem:$0x3FA3] =	sst s9;
	s0 =	simm.s32 @!p0 $0x0  }
0x12: {  	s1 =	sld [smem:$0x3F89];
	s0 =	simm.s32 @p0 $0x1  }
0x13: {  	[smem:$0x3FA4] =	sst s0;
	s0 =	simm.s32 @!p1 $0x0  }
0x14: {  	s2 =	sld [smem:$0x3F88];
	s0 =	simm.s32 @p1 $0x1  }
0x15: {  	[smem:$0x3FA5] =	sst s0;
	s0 =	simm.s32 @!p2 $0x0  }
0x16: {  	s3 =	sld [smem:$0x3FDB];
	s0 =	simm.s32 @p2 $0x1  }
0x17: {  	s4 =	simm.s32 $0x1BF5;
	[smem:$0x3FA7] =	sst s0  }
0x18: {  	s0 =	sld [smem:$0x3F8A];
	_ =	swait.ge [sflag:s4], $0x0  }
0x19: {  	s7 =	sld [smem:$0x3F8B]  }
0x1a: {  	s8 =	sadd.s32 $0xFFFFE003, lr  }
0x1b: {  	s9 =	sadd.s32 $0xFFFFFEF7, lr;
	s5 =	simm.s32 $0xFFFFFFFF;
	p2 =	slt.u32 s8, $0xFFFFF086  }
0x1c: {  	p1 =	slt.u32 s9, $0xF7A;
	s5 =	simm.s32 @!p2 $0x0  }
0x1d: {  	s5 =	simm.s32 @p1 $0x1;
	p0 =	seq.s32 s7, s2  }
0x1e: {  	s7 =	smul.u32 @!p0 $0xF7A, s2;
	p2 =	seq.s32 @!p0 s5, $0x0  }
0x1f: {  	s9 =	smul.u32 $0xF7A, s1;
	s8 =	simm.s32 @!p0 $0x1BF5;
	p2 =	por !p2, p0  }
0x20: {  	[sflag:s8] =	ssyncset.s32 @!p0 $0xFFFFF086;
	s6 =	sadd.s32 @!p0 s3, s7;
	s7 =	simm.s32 @!p0 $0x108  }
0x21: {  	s3 =	sadd.s32 s3, s9;
	s6 =	sadd.s32 @!p0 $0x88, s6;
	s7 =	simm.s32 @p2 $0x1082  }
0x22: {  	[simem:s7], [sflag:s8] =	dma.local @!p0 [hbm:s6], $0xF7A  }
0x23: {  	s9 =	sor.u32 $0xD0000000, s2;
	s6 =	simm.s32 $0x108;
	_ =	swait.ge @!p0 [sflag:s8], $0x0  }
0x24: {  	s3 =	sadd.s32 $0x88, s3;
	s6 =	simm.s32 @!p1 $0x1082;
	[sflag:s4] =	ssyncset.s32 $0xFFFFF086  }
0x25: {  	[simem:s6], [sflag:s4] =	dma.local [hbm:s3], $0xF7A  }
0x26: {  	[smem:$0x3F8B] =	sst s1;
	(tag) =	ssettag s2;
	_ =	strace s9  }
0x27: {  	s1 =	sld [smem:$0x3F9B]  }
0x28: {  	s2 =	sld [smem:$0x3F9C]  }
0x29: {  	s4 =	sld [smem:$0x3F9E]  }
0x2a: {  	p0 =	seq.s32 s5, $0x0;
	s5 =	sld [smem:$0x3F9F]  }
0x2b: {  	s6 =	sld [smem:$0x3FA0]  }
0x2c: {  	s7 =	sld [smem:$0x3FA1]  }
0x2d: {  	s3 =	simm.s32 $0x108;
	s8 =	sld [smem:$0x3FA2]  }
0x2e: {  	s3 =	simm.s32 @!p0 $0x1082;
	s9 =	sld [smem:$0x3FA3]  }
0x2f: {  	lr =	sadd.s32 s0, s3;
	s0 =	sld [smem:$0x3F9A]  }
0x30: {  	s3 =	sld [smem:$0x3F9D]  }
0x31: {  	[smem:$0x3FA6] =	sst s10  }
0x32: {  	s10 =	sld [smem:$0x3FA4];
	_ =	sdelay $0x3  }
0x33: {  	p0 =	seq.s32 s10, $0x1;
	s10 =	sld [smem:$0x3FA6];
	_ =	sdelay $0x3  }
0x34: {  	[smem:$0x3FA6] =	sst s10  }
0x35: {  	s10 =	sld [smem:$0x3FA5];
	_ =	sdelay $0x3  }
0x36: {  	p1 =	seq.s32 s10, $0x1;
	s10 =	sld [smem:$0x3FA6];
	_ =	sdelay $0x3  }
0x37: {  	[smem:$0x3FA6] =	sst s10  }
0x38: {  	s10 =	sld [smem:$0x3FA7]  }
0x39: {  	_ = 	snop;
	(pc) =	sbr.ind lr, $3  }
0x3a: {  	_ = 	snop  }
0x3b: {  	_ = 	snop  }
0x3c: {  	p2 =	seq.s32 s10, $0x1;
	s10 =	sld [smem:$0x3FA6]  }
0x3d: {  	_ =	shalt  }
0x3e: {  	_ =	shalt  }
0x3f: {  	_ =	shalt  }
0x40: {  	_ =	shalt  }
0x41: {  	_ =	shalt  }
0x42: {  	_ =	shalt  }
0x43: {  	_ =	shalt  }
0x44: {  	_ =	shalt  }
0x45: {  	_ =	shalt  }
0x46: {  	_ =	shalt  }
0x47: {  	_ =	shalt  }
0x48: {  	_ =	shalt  }
0x49: {  	_ =	shalt  }
0x4a: {  	_ =	shalt  }
0x4b: {  	_ =	shalt  }
0x4c: {  	_ =	shalt  }
0x4d: {  	_ =	shalt  }
0x4e: {  	_ =	shalt  }
0x4f: {  	_ =	shalt  }
0x50: {  	_ =	shalt  }
0x51: {  	_ =	shalt  }
0x52: {  	_ =	shalt  }
0x53: {  	_ =	shalt  }
0x54: {  	_ =	shalt  }
0x55: {  	_ =	shalt  }
0x56: {  	_ =	shalt  }
0x57: {  	_ =	shalt  }
0x58: {  	_ =	shalt  }
0x59: {  	_ =	shalt  }
0x5a: {  	_ =	shalt  }
0x5b: {  	_ =	shalt  }
0x5c: {  	_ =	shalt  }
0x5d: {  	_ =	shalt  }
0x5e: {  	_ =	shalt  }
0x5f: {  	_ =	shalt  }
0x60: {  	_ =	shalt  }
0x61: {  	_ =	shalt  }
0x62: {  	_ =	shalt  }
0x63: {  	_ =	shalt  }
0x64: {  	_ =	shalt  }
0x65: {  	_ =	shalt  }
0x66: {  	_ =	shalt  }
0x67: {  	_ =	shalt  }
0x68: {  	_ =	shalt  }
0x69: {  	_ =	shalt  }
0x6a: {  	_ =	shalt  }
0x6b: {  	_ =	shalt  }
0x6c: {  	_ =	shalt  }
0x6d: {  	_ =	shalt  }
0x6e: {  	_ =	shalt  }
0x6f: {  	_ =	shalt  }
0x70: {  	_ =	shalt  }
0x71: {  	_ =	shalt  }
0x72: {  	_ =	shalt  }
0x73: {  	_ =	shalt  }
0x74: {  	_ =	shalt  }
0x75: {  	_ =	shalt  }
0x76: {  	_ =	shalt  }
0x77: {  	_ =	shalt  }
0x78: {  	_ =	shalt  }
0x79: {  	_ =	shalt  }
0x7a: {  	_ =	shalt  }
0x7b: {  	_ =	shalt  }
0x7c: {  	_ =	shalt  }
0x7d: {  	_ =	shalt  }
0x7e: {  	_ =	shalt  }
0x7f: {  	_ =	shalt  }
0x80: {  	_ =	shalt  }
0x81: {  	_ =	shalt  }
0x82: {  	_ =	shalt  }
0x83: {  	_ =	shalt  }
0x84: {  	_ =	shalt  }
0x85: {  	_ =	shalt  }
0x86: {  	_ =	shalt  }
0x87: {  	_ =	shalt  }
.Lfunc_end0:
.L_simem_size_0:
called_computation_lowered:
.L_overlay_start_0:
0x88: {  	s2 =	sld [smem:$0x3FD9]  }
0x89: {  	s3 =	sld [smem:$0x3FFE];
	_ =	sdelay $0x1  }
0x8a: {  	s1 =	srdreg.scid  }
0x8b: {  	s0 =	sand.u32 $0x1, s1  }
0x8c: {  	s16 =	sshll.u32 s0, $0xA;
	s2 =	sadd.s32 s3, s2  }
0x8d: {  	s2 =	sadd.s32 s2, s16  }
0x8e: {  	[smem:$0x3FB2] =	sst s2  }
0x8f: {  	_ = 	snop  }
0x90: {  	(tm) =	ssettm $0x1  }
0x91: {  	s17 =	sld [smem:$0x3FFB];
	_ =	sdelay $0x3  }
0x92: {  	_ =	strace s17  }
0x93: {  	s2 =	sld [smem:$0x3FFC];
	_ =	sdelay $0x3  }
0x94: {  	_ =	strace s2  }
0x95: {  	s2 =	sld [smem:$0x3FFD];
	_ =	sdelay $0x3  }
0x96: {  	_ =	strace s2  }
0x97: {  	_ =	strace $0x8FFFFFFF  }
0x98: {  	s18 =	sld [smem:$0x3FDB];
	_ =	sdelay $0x1  }
0x99: {  	s19 =	simm.s32 $_scs_section_size  }
0x9a: {  	s4 =	simm.s32 $_size__tile_overlayer_lowered;
	s5 =	simm.s32 $_tile_overlayer_lowered  }
0x9b: {  	s22 =	simm.s32 $0x1BFF;
	s21 =	sshll.u32 s5, $0x1;
	s2 =	sadd.s32 s19, s18  }
0x9c: {  	s6 =	simm.s32 $0x0;
	s20 =	sshll.u32 s4, $0x1;
	s4 =	sadd.s32 s21, s2  }
0x9d: {  	[timem:s6], [sflag:s22] =	dma.local [hbm:s4], s20  }
0x9e: {  	_ =	swait.ge [sflag:s22], s20  }
0x9f: {  	s3 =	ssub.s32 $0x0, s20;
	[sflag:s22] =	ssyncset.done $0x0  }
0xa0: {  	[sflag:s22] =	ssyncadd.s32 s3;
	_ =	sdelay $0x1  }
0xa1: {  	s23 =	simm.s32 $0x1B8B  }
0xa2: {  	_ =	swait.ge [sflag:s23], $0x1  }
0xa3: {  	[sflag:s23] =	ssyncset.done $0x0  }
0xa4: {  	s25 =	simm.s32 $0x1B8E;
	s24 =	sld [smem:$0x3FFE];
	[sflag:s23] =	ssyncadd.s32 $0xFFFFFFFF  }
0xa5: {  	s26 =	simm.s32 $execute0_lowered;
	[smem:$0x3FD2] =	sst s25  }
0xa6: {  	s4 =	sshll.u32 s26, $0x1;
	_ =	strace $0x80000046;
	[dreg:$0x1] =	wrdreg $0xFFFFFFFF  }
0xa7: {  	s28 =	simm.s32 $_size_execute0_lowered;
	s2 =	sadd.s32 s2, s4;
	[dreg:$0x0] =	wrdreg $0x0  }
0xa8: {  	s4 =	sshll.u32 s28, $0x1;
	[dreg:$0x2] =	wrdreg s2  }
0xa9: {  	[dreg:$0x3] =	wrdreg s4  }
0xaa: {  	[dreg:$0x4] =	wrdreg $0xC0  }
0xab: {  	_ =	task [dreg:s6], $0x5FFFF  }
0xac: {  	[dreg:$0x1] =	wrdreg $0xFFFFFFFF  }
0xad: {  	[dreg:$0x0] =	wrdreg $0x60  }
0xae: {  	[dreg:$0x2] =	wrdreg s24  }
0xaf: {  	[dreg:$0x3] =	wrdreg $0x0  }
0xb0: {  	[dreg:$0x4] =	wrdreg $0x9  }
0xb1: {  	_ =	task.clear_ibuf [dreg:s6], $0x5FFFF;
	_ =	strace $0x90000046  }
0xb2: {  	s29 =	simm.s32 $0x9;
	_ =	strace $0x80000048  }
0xb3: {  	_ =	swait.ge [sflag:s29], $0x1  }
0xb4: {  	[sflag:s29] =	ssyncadd.s32 $0xFFFFFFFF  }
0xb5: {  	_ =	strace $0x90000048  }
0xb6: {  	_ =	sfence  }
0xb7: {  	s30 =	sld [smem:$0x0];
	_ =	sdelay $0x2  }
0xb8: {  	s31 =	sshll.u32 s1, $0xD;
	s1 =	sshrl.u32 s1, $0x2  }
0xb9: {  	s3 =	sand.u32 $0x4000, s31;
	s1 =	sadd.s32 s1, s30  }
0xba: {  	s0 =	sor.u32 s3, s0;
	s1 =	sshll.u32 s1, $0x11  }
0xbb: {  	s0 =	sor.u32 s1, s0  }
0xbc: {  	s0 =	sadd.s32 $0x8F2B, s0  }
0xbd: {  	[sflag:s0] =	ssyncadd.remote.s32 $0x1  }
0xbe: {  	_ =	sfence.sel $0xFFFF  }
0xbf: {  	[dreg:$0x0] =	wrdreg $0xFFFFFFFF;
	(pc) =	sbr.abs _section_cstart, $3  }
0xc0: {  	[dreg:$0x1] =	wrdreg $0xFFFFFFFF  }
0xc1: {  	_ =	task.clear_ibuf [dreg:s6], $0x2FFFF;
	_ =	strace $0x9FFFFFFF  }
0xc2: {  	(tm) =	ssettm $0x7FFFFFFF  }
0xc3: {  	_ =	shalt  }
tec
execute0_lowered:
.L_overlay_start_1:
0x0: {  	(tag) =	ssettag $0x1  }
0x1: {  	s7 =	rddreg [dreg:$0x0];
	s1 =	srdreg.scid  }
0x2: {  	s0 =	stileid.u32;
	s2 =	rddreg [dreg:$0x1]  }
0x3: {  	s3 =	simm.s32 $0x0;
	s12 =	simm.s32 $0x2;
	s13 =	simm.s32 $0x5000  }
0x4: {  	s14 =	simm.s32 $0x7780;
	s15 =	simm.s32 $0x80;
	s16 =	simm.s32 $0x9F80  }
0x5: {  	s17 =	simm.s32 $0x1;
	s18 =	simm.s32 $0x9F00;
	s21 =	simm.s32 $0x0  }
0x6: {  	s6 =	sand.u32 $0x1, s1;
	s8 =	smul.u32 $0x5000, s0;
	s1 =	rddreg [dreg:$0x2]  }
0x7: {  	[smem:$0x7FF] =	sst s3;
	s11 =	smul.u32 $0x2780, s0;
	s4 =	sadd.s32 $0x3AE00, s7  }
0x8: {  	s5 =	sadd.s32 $0x44C00, s7;
	s19 =	sshll.u32 s0, $0x6;
	s9 =	smul.u32 $0x50000, s6  }
0x9: {  	s10 =	smul.u32 $0x27800, s6;
	_ =	strace $0x80000047;
	s6 =	ssub.s32 $0x2, s6  }
0xa: {  	s19 =	sor.u32 $0x1C02, s19;
	s31 =	sshrl.u32 s6, $0x1;
	s9 =	sadd.s32 s8, s9  }
0xb: {  	v7 =	vlaneseq.u32;
	s10 =	sadd.s32 s11, s10;
	s11 =	ssub.s32 s6, s31;
	s6 =	sadd.s32 s8, s2  }
0xc: {  	v0 =	vor.u32 $0x2710, v7;
	v1 =	vor.u32 $0x2720, v7;
	s9 =	sshrl.u32 s9, $0x3;
	s10 =	sshrl.u32 s10, $0x3;
	s20 =	sshrl.u32 s6, $0x3  }
0xd: {  	v2 =	vor.u32 $0x2730, v7;
	v3 =	vor.u32 $0x2740, v7;
	v4 =	vor.u32 $0x2750, v7;
	s9 =	sadd.s32 s9, s7;
	s7 =	sadd.s32 s7, s10;
	s10 =	smax.u32 s11, $0x1  }
0xe: {  	v5 =	vor.u32 $0x2760, v7;
	v6 =	vor.u32 $0x2770, v7;
	v7 =	vor.u32 $0x2780, v7;
	s11 =	simm.s32 $0xAF80;
	s8 =	sadd.s32 $0x9E00, s7;
	s9 =	sadd.s32 $0x45600, s9  }
.LBB2_1:
0xf: {  	[tilespmem:s11], [sflag:$0x2] =	stream.linear.gather [hbm4b:s5+s3], $0x5000, $0x38;
	[tilespmem:$0xFF80] =	vst v63  }
0x10: {  	_ =	swait.ge [sflag:s12], $0x5000  }
0x11: {  	[sflag:s12] =	ssyncset.done $0x0  }
0x12: {  	[sflag:s12] =	ssyncadd.s32 $0xFFFFB000  }
0x13: {  	[spmem:s6] =	stream.linear.scatter [tilespmem:s11], [sflag:$0x2], $0x5000, $0x38;
	[tilespmem:$0xFF80] =	vst v63  }
0x14: {  	_ =	swait.ge [sflag:s12], $0x5000  }
0x15: {  	[sflag:s12] =	ssyncset.done $0x0  }
0x16: {  	[sflag:s12] =	ssyncadd.s32 $0xFFFFB000  }
0x17: {  	[tilespmem:s13], [sflag:$0x2] =	stream.linear.gather [hbm4b:s7+s3], $0x2780, $0x38;
	[tilespmem:$0xFF80] =	vst v63  }
0x18: {  	_ =	swait.ge [sflag:s12], $0x2780  }
0x19: {  	[sflag:s12] =	ssyncset.done $0x0  }
0x1a: {  	[sflag:s12] =	ssyncadd.s32 $0xFFFFD880  }
0x1b: {  	[tilespmem:s14], [sflag:$0x2] =	stream.linear.gather [hbm4b:s8+s3], $0x2780, $0x38;
	[tilespmem:$0xFF80] =	vst v63  }
0x1c: {  	_ =	swait.ge [sflag:s12], $0x2780  }
0x1d: {  	[sflag:s12] =	ssyncset.done $0x0  }
0x1e: {  	[sflag:s12] =	ssyncadd.s32 $0xFFFFD880  }
0x1f: {  	s22 =	simm.s32 $0x0;
	[bflag:$0x0] =	sbarrier.arrive $0xFFFF  }
0x20: {  	v8 =	vld [tilespmem:s22+$0x5000]  }
0x21: {  	v9 =	vld [tilespmem:s22+$0x7780];
	_ =	sdelay $0x4  }
0x22: {  	vm0 =	veq.s32 v8, v9  }
0x23: {  	v8 =	vsel vm0, v0, v9  }
0x24: {  	[tilespmem:$0x9F00] =	vst v8  }
0x25: {  	v8 =	vld [tilespmem:s22+$0x5010]  }
0x26: {  	v9 =	vld [tilespmem:s22+$0x7790];
	_ =	sdelay $0x4  }
0x27: {  	vm9 =	veq.s32 v8, v9  }
0x28: {  	v8 =	vsel vm9, v1, v9  }
0x29: {  	[tilespmem:$0x9F10] =	vst v8  }
0x2a: {  	v8 =	vld [tilespmem:s22+$0x5020]  }
0x2b: {  	v9 =	vld [tilespmem:s22+$0x77A0];
	_ =	sdelay $0x4  }
0x2c: {  	vm10 =	veq.s32 v8, v9  }
0x2d: {  	v8 =	vsel vm10, v2, v9  }
0x2e: {  	[tilespmem:$0x9F20] =	vst v8  }
0x2f: {  	v8 =	vld [tilespmem:s22+$0x5030]  }
0x30: {  	v9 =	vld [tilespmem:s22+$0x77B0];
	_ =	sdelay $0x4  }
0x31: {  	vm11 =	veq.s32 v8, v9  }
0x32: {  	v8 =	vsel vm11, v3, v9  }
0x33: {  	[tilespmem:$0x9F30] =	vst v8  }
0x34: {  	v8 =	vld [tilespmem:s22+$0x5040]  }
0x35: {  	v9 =	vld [tilespmem:s22+$0x77C0];
	_ =	sdelay $0x4  }
0x36: {  	vm12 =	veq.s32 v8, v9  }
0x37: {  	v8 =	vsel vm12, v4, v9  }
0x38: {  	[tilespmem:$0x9F40] =	vst v8  }
0x39: {  	v8 =	vld [tilespmem:s22+$0x5050]  }
0x3a: {  	v9 =	vld [tilespmem:s22+$0x77D0];
	_ =	sdelay $0x4  }
0x3b: {  	vm13 =	veq.s32 v8, v9  }
0x3c: {  	v8 =	vsel vm13, v5, v9  }
0x3d: {  	[tilespmem:$0x9F50] =	vst v8  }
0x3e: {  	v8 =	vld [tilespmem:s22+$0x5060]  }
0x3f: {  	v9 =	vld [tilespmem:s22+$0x77E0];
	_ =	sdelay $0x4  }
0x40: {  	vm14 =	veq.s32 v8, v9  }
0x41: {  	v8 =	vsel vm14, v6, v9  }
0x42: {  	[tilespmem:$0x9F60] =	vst v8  }
0x43: {  	v8 =	vld [tilespmem:s22+$0x5070]  }
0x44: {  	v9 =	vld [tilespmem:s22+$0x77F0];
	_ =	sdelay $0x4  }
0x45: {  	vm15 =	veq.s32 v8, v9  }
0x46: {  	s24 =	simm.s32 $0x5000;
	s22 =	simm.s32 $0x200;
	v8 =	vsel vm15, v7, v9  }
.LBB2_2:
0x47: {  	p0 =	sne.s32 s22, $0x9C00;
	[tilespmem:$0x9F70] =	vst v8;
	s23 =	smov.u32 s22;
	s22 =	sadd.s32 $0x200, s22  }
0x48: {  	[tilespmem:s16], [sflag:$0x1] =	stream.indirect.gather [hbm4b:s4+s15], $0x20, s24, s15, $0xb8;
	[tilespmem:$0xFF80] =	vst v63  }
0x49: {  	_ =	swait.ge [sflag:s17], $0x1000  }
0x4a: {  	[sflag:s17] =	ssyncset.done $0x0  }
0x4b: {  	[sflag:s17] =	ssyncadd.s32 $0xFFFFF000  }
0x4c: {  	[spmem:s2] =	stream.indirect.scatter.add.f32 [tilespmem:s16], [sflag:$0x2], $0x20, s18, s15, $0xb8;
	[tilespmem:$0xFF80] =	vst v63  }
0x4d: {  	_ =	swait.ge [sflag:s12], $0x1000  }
0x4e: {  	[sflag:s12] =	ssyncset.done $0x0  }
0x4f: {  	s23 =	sshra.s32 s23, $0x2;
	[sflag:s12] =	ssyncadd.s32 $0xFFFFF000  }
0x50: {  	v8 =	vld [tilespmem:s23+$0x5000]  }
0x51: {  	v9 =	vld [tilespmem:s23+$0x7780];
	_ =	sdelay $0x4  }
0x52: {  	vm0 =	veq.s32 v8, v9  }
0x53: {  	v8 =	vsel vm0, v0, v9  }
0x54: {  	[tilespmem:$0x9F00] =	vst v8  }
0x55: {  	v8 =	vld [tilespmem:s23+$0x5010]  }
0x56: {  	v9 =	vld [tilespmem:s23+$0x7790];
	_ =	sdelay $0x4  }
0x57: {  	vm0 =	veq.s32 v8, v9  }
0x58: {  	v8 =	vsel vm0, v1, v9  }
0x59: {  	[tilespmem:$0x9F10] =	vst v8  }
0x5a: {  	v8 =	vld [tilespmem:s23+$0x5020]  }
0x5b: {  	v9 =	vld [tilespmem:s23+$0x77A0];
	_ =	sdelay $0x4  }
0x5c: {  	vm0 =	veq.s32 v8, v9  }
0x5d: {  	v8 =	vsel vm0, v2, v9  }
0x5e: {  	[tilespmem:$0x9F20] =	vst v8  }
0x5f: {  	v8 =	vld [tilespmem:s23+$0x5030]  }
0x60: {  	v9 =	vld [tilespmem:s23+$0x77B0];
	_ =	sdelay $0x4  }
0x61: {  	vm0 =	veq.s32 v8, v9  }
0x62: {  	v8 =	vsel vm0, v3, v9  }
0x63: {  	[tilespmem:$0x9F30] =	vst v8  }
0x64: {  	v8 =	vld [tilespmem:s23+$0x5040]  }
0x65: {  	v9 =	vld [tilespmem:s23+$0x77C0];
	_ =	sdelay $0x4  }
0x66: {  	vm0 =	veq.s32 v8, v9  }
0x67: {  	v8 =	vsel vm0, v4, v9  }
0x68: {  	[tilespmem:$0x9F40] =	vst v8  }
0x69: {  	v8 =	vld [tilespmem:s23+$0x5050]  }
0x6a: {  	v9 =	vld [tilespmem:s23+$0x77D0];
	_ =	sdelay $0x4  }
0x6b: {  	vm0 =	veq.s32 v8, v9  }
0x6c: {  	v8 =	vsel vm0, v5, v9  }
0x6d: {  	[tilespmem:$0x9F50] =	vst v8  }
0x6e: {  	v8 =	vld [tilespmem:s23+$0x5060]  }
0x6f: {  	v9 =	vld [tilespmem:s23+$0x77E0];
	_ =	sdelay $0x4  }
0x70: {  	vm0 =	veq.s32 v8, v9  }
0x71: {  	v8 =	vsel vm0, v6, v9  }
0x72: {  	[tilespmem:$0x9F60] =	vst v8  }
0x73: {  	s24 =	sadd.s32 $0x5000, s23;
	v8 =	vld [tilespmem:s23+$0x5070]  }
0x74: {  	v9 =	vld [tilespmem:s23+$0x77F0];
	_ =	sdelay $0x1  }
.Ltmp0:
0x75: {  	(pc) =	sbr.rel @p0 .LBB2_2-.Ltmp0, $3  }
0x76: {  	_ =	sdelay $0x1  }
0x77: {  	vm0 =	veq.s32 v8, v9  }
0x78: {  	v8 =	vsel vm0, v7, v9  }
0x79: {  	[tilespmem:$0x9F70] =	vst v8  }
0x7a: {  	[tilespmem:s16], [sflag:$0x1] =	stream.indirect.gather [hbm4b:s4+s15], $0x20, s24, s15, $0xb8;
	[tilespmem:$0xFF80] =	vst v63  }
0x7b: {  	_ =	swait.ge [sflag:s17], $0x1000  }
0x7c: {  	[sflag:s17] =	ssyncset.done $0x0  }
0x7d: {  	[sflag:s17] =	ssyncadd.s32 $0xFFFFF000  }
0x7e: {  	[spmem:s2] =	stream.indirect.scatter.add.f32 [tilespmem:s16], [sflag:$0x2], $0x20, s18, s15, $0xb8;
	[tilespmem:$0xFF80] =	vst v63  }
0x7f: {  	_ =	swait.ge [sflag:s12], $0x1000  }
0x80: {  	s21 =	sadd.s32 $0x1, s21;
	[sflag:s12] =	ssyncset.done $0x0  }
0x81: {  	p0 =	sne.s32 s21, s10;
	[sflag:s12] =	ssyncadd.s32 $0xFFFFF000  }
.Ltmp1:
0x82: {  	[bflag:$0x0] =	sbarrier.arrive $0xFFFF;
	(pc) =	sbr.rel @p0 .LBB2_1-.Ltmp1, $4  }
0x83: {  	[hbm:s9], [sflag:s19] =	dma.local [spmem:s20], $0xA00  }
0x84: {  	_ =	swait.ge [sflag:s12], $0xA00  }
0x85: {  	[sflag:s12] =	ssyncset.done $0x0  }
0x86: {  	[sflag:s12] =	ssyncadd.s32 $0xFFFFF600  }
0x87: {  	_ =	sfence.sel $0x180000  }
0x88: {  	[bflag:$0x0] =	sbarrier.arrive $0xFFFF  }
0x89: {  	p0 =	sne.s32 s0, $0x0;
	_ =	strace $0x90000047  }
0x8a: {  	s0 =	sadd.s32 @!p0 $0x100000, s1;
	[bflag:$0x2] =	sbarrier.arrive $0xFFFF  }
0x8b: {  	[sflag:s0] =	ssyncadd.tile.s32 @!p0 $0x1;
	_ =	shalt  }
.Lfunc_end2:
_tile_overlayer_lowered:
.L_overlay_start_2:
0x8c: {  	(tag) =	ssettag $0x2  }
0x8d: {  	s0 =	rddreg [dreg:$0x0];
	s2 =	stileid.u32  }
0x8e: {  	s1 =	rddreg [dreg:$0x1];
	p0 =	sne.s32 s2, $0x0  }
0x8f: {  	s3 =	rddreg [dreg:$0x2];
	[bflag:$0x3] =	sbarrier.arrive $0xFFFF;
	s2 =	simm.s32 @!p0 $0x1C02  }
0x90: {  	[timem:s3], [sflag:s2] =	dma.local @!p0 [hbm:s0], s1  }
0x91: {  	s0 =	simm.s32 @!p0 $0x2  }
0x92: {  	_ =	swait.ge @!p0 [sflag:s0], s1  }
0x93: {  	s1 =	ssub.s32 @!p0 $0x0, s1;
	[sflag:s0] =	ssyncset.done @!p0 $0x0  }
0x94: {  	[sflag:s0] =	ssyncadd.s32 @!p0 s1  }
0x95: {  	[bflag:$0x3] =	sbarrier.arrive $0xFFFF  }
0x96: {  	_ =	shalt  }

</sc_bundles>
